<compile_context>
chip_gen: v7x
topology: tpu7x:2x2x1
jax: 0.10.2.dev20260603
libtpu: 0.0.44.dev20260713+nightly
codegen_flags: <defaults>
</compile_context>

<pallas_src>
import functools

import jax
import jax.numpy as jnp
from jax import lax
from jax.experimental import pallas as pl
from jax.experimental.pallas import tpu as pltpu
from jax.experimental.pallas import tpu_sc as plsc

B = 16384
V = 1000
D = 128
H = 512

_NC = 2
_NS = 16
_NW = _NC * _NS
_CH = 128


def _sc_gather_kernel(nchunk, ut_hbm, it_hbm, uid_hbm, iid_hbm,
                      uout_hbm, iout_hbm,
                      uidx, iidx, ubuf0, ubuf1, ubuf2, ibuf0, ibuf1, ibuf2,
                      *sems):
    bpw = nchunk * _CH
    wid = lax.axis_index("s") * _NC + lax.axis_index("c")
    base = wid * bpw
    pltpu.sync_copy(uid_hbm.at[pl.ds(base, bpw)], uidx)
    pltpu.sync_copy(iid_hbm.at[pl.ds(base, bpw)], iidx)
    ubufs = (ubuf0, ubuf1, ubuf2)
    ibufs = (ibuf0, ibuf1, ibuf2)
    nbuf = 3
    g = [None] * nchunk
    w = [None] * nchunk
    for c in range(nchunk):
        s = c % nbuf
        if c >= nbuf:
            w[c - nbuf][0].wait()
            w[c - nbuf][1].wait()
        sl = pl.ds(c * _CH, _CH)
        g[c] = (pltpu.async_copy(ut_hbm.at[uidx.at[sl]], ubufs[s], sems[s]),
                pltpu.async_copy(it_hbm.at[iidx.at[sl]], ibufs[s], sems[nbuf + s]))
        if c >= 1:
            p = (c - 1) % nbuf
            osl = pl.ds(base + (c - 1) * _CH, _CH)
            g[c - 1][0].wait()
            g[c - 1][1].wait()
            w[c - 1] = (pltpu.async_copy(ubufs[p], uout_hbm.at[osl],
                                         sems[2 * nbuf + p]),
                        pltpu.async_copy(ibufs[p], iout_hbm.at[osl],
                                         sems[3 * nbuf + p]))
    c = nchunk - 1
    s = c % nbuf
    osl = pl.ds(base + c * _CH, _CH)
    g[c][0].wait()
    g[c][1].wait()
    w[c] = (pltpu.async_copy(ubufs[s], uout_hbm.at[osl], sems[2 * nbuf + s]),
            pltpu.async_copy(ibufs[s], iout_hbm.at[osl], sems[3 * nbuf + s]))
    for c in range(max(0, nchunk - nbuf), nchunk):
        w[c][0].wait()
        w[c][1].wait()


def _sc_gather(user_table, item_table, user_ids, item_ids):
    nb = user_ids.shape[0]
    bpw = nb // _NW
    nchunk = bpw // _CH
    mesh = plsc.VectorSubcoreMesh(core_axis_name="c", subcore_axis_name="s")
    f = pl.kernel(
        functools.partial(_sc_gather_kernel, nchunk),
        mesh=mesh,
        out_type=[
            jax.ShapeDtypeStruct((nb, D), jnp.float32),
            jax.ShapeDtypeStruct((nb, D), jnp.float32),
        ],
        scratch_types=[
            pltpu.VMEM((bpw,), jnp.int32),
            pltpu.VMEM((bpw,), jnp.int32),
            pltpu.VMEM((_CH, D), jnp.float32),
            pltpu.VMEM((_CH, D), jnp.float32),
            pltpu.VMEM((_CH, D), jnp.float32),
            pltpu.VMEM((_CH, D), jnp.float32),
            pltpu.VMEM((_CH, D), jnp.float32),
            pltpu.VMEM((_CH, D), jnp.float32),
        ] + [pltpu.SemaphoreType.DMA] * 12,
    )
    return f(user_table, item_table, user_ids, item_ids)


_BLK = 2048


def _tc_heads_kernel(u_ref, i_ref,
                     rw1, rb1, rw2, rb2,
                     dw1, db1, dw2, db2,
                     nw1, nb1, nw2, nb2,
                     ro, do, no):
    c = jnp.concatenate([u_ref[...], i_ref[...]], axis=1).astype(jnp.bfloat16)

    def head(w1, b1, w2, b2, o_ref):
        h = jnp.dot(c, w1[...], preferred_element_type=jnp.float32)
        h = jnp.maximum(h + b1[...], 0.0).astype(jnp.bfloat16)
        o = jax.lax.dot_general(w2[...], h, (((0,), (1,)), ((), ())),
                                preferred_element_type=jnp.float32)
        o_ref[...] = o.reshape(_BLK) + b2[0, 0]

    head(rw1, rb1, rw2, rb2, ro)
    head(dw1, db1, dw2, db2, do)
    head(nw1, nb1, nw2, nb2, no)


def _tc_heads(u_emb, i_emb, weights):
    nb = u_emb.shape[0]
    row_spec = pl.BlockSpec((_BLK, D), lambda i: (i, 0))
    w1_spec = pl.BlockSpec((2 * D, H), lambda i: (0, 0))
    b1_spec = pl.BlockSpec((1, H), lambda i: (0, 0))
    w2_spec = pl.BlockSpec((H, 1), lambda i: (0, 0))
    b2_spec = pl.BlockSpec((1, 1), lambda i: (0, 0))
    o_spec = pl.BlockSpec((_BLK,), lambda i: (i,))
    in_specs = [row_spec, row_spec]
    for _ in range(3):
        in_specs += [w1_spec, b1_spec, w2_spec, b2_spec]
    out_shape = [jax.ShapeDtypeStruct((nb,), jnp.float32)] * 3
    f = pl.pallas_call(
        _tc_heads_kernel,
        grid=(nb // _BLK,),
        in_specs=in_specs,
        out_specs=[o_spec] * 3,
        out_shape=out_shape,
    )
    return f(u_emb, i_emb, *weights)


_NSPLIT = 2


def kernel(user_ids, item_ids, user_table, item_table,
           rel_W1, rel_b1, rel_W2, rel_b2,
           div_W1, div_b1, div_W2, div_b2,
           nov_W1, nov_b1, nov_W2, nov_b2):
    weights = []
    for W1, b1, W2, b2 in ((rel_W1, rel_b1, rel_W2, rel_b2),
                           (div_W1, div_b1, div_W2, div_b2),
                           (nov_W1, nov_b1, nov_W2, nov_b2)):
        weights += [W1.astype(jnp.bfloat16), b1.reshape(1, H),
                    W2.astype(jnp.bfloat16), b2.reshape(1, 1)]

    nb = B // _NSPLIT
    embs = []
    for s in range(_NSPLIT):
        sl = slice(s * nb, (s + 1) * nb)
        embs.append(_sc_gather(user_table, item_table,
                               user_ids[sl], item_ids[sl]))
    outs = [_tc_heads(u, i, weights) for (u, i) in embs]

    rel, div, nov = (jnp.concatenate(parts) for parts in zip(*outs))
    return (rel.reshape(B, 1), div.reshape(B, 1), nov.reshape(B, 1))

# --- scband reference (transcript-rebuilt; emitter-appended) ---
"""Pipeline reference for scband-multi-objective-recommender-28295244546199 (READ-ONLY COPY).

The authoritative reference and input builder live on the scoring server;
editing this copy changes nothing except your own understanding.
"""

import jax, jax.numpy as jnp
import numpy as np

B = 16384
V = 1000
D = 128
H = 512

def setup_inputs(seed: int = 0) -> dict:
    key = jax.random.key(seed)
    ks = jax.random.split(key, 20)
    inp = {}
    inp["user_ids"] = jax.random.randint(ks[0], (B,), 0, V, dtype=jnp.int64 if jax.config.jax_enable_x64 else jnp.int32)
    inp["item_ids"] = jax.random.randint(ks[1], (B,), 0, V, dtype=jnp.int64 if jax.config.jax_enable_x64 else jnp.int32)
    inp["user_table"] = jax.random.normal(ks[2], (V, D), dtype=jnp.float32)
    inp["item_table"] = jax.random.normal(ks[3], (V, D), dtype=jnp.float32)
    s1 = 1.0 / np.sqrt(2 * D)
    s2 = 1.0 / np.sqrt(H)
    for i, n in enumerate(["rel", "div", "nov"]):
        inp[f"{n}_W1"] = jax.random.normal(ks[4 + 4 * i], (2 * D, H), dtype=jnp.float32) * s1
        inp[f"{n}_b1"] = jnp.zeros((H,), dtype=jnp.float32)
        inp[f"{n}_W2"] = jax.random.normal(ks[5 + 4 * i], (H, 1), dtype=jnp.float32) * s2
        inp[f"{n}_b2"] = jnp.zeros((1,), dtype=jnp.float32)
    return inp

def reference(user_ids, item_ids, user_table, item_table,
              rel_W1, rel_b1, rel_W2, rel_b2,
              div_W1, div_b1, div_W2, div_b2,
              nov_W1, nov_b1, nov_W2, nov_b2):
    user_emb = jnp.take(user_table, user_ids, axis=0)
    item_emb = jnp.take(item_table, item_ids, axis=0)
    combined = jnp.concatenate([user_emb, item_emb], axis=1)

    def head(W1, b1, W2, b2):
        h = jax.nn.relu(combined @ W1 + b1)
        return h @ W2 + b2

    relevance = head(rel_W1, rel_b1, rel_W2, rel_b2)
    diversity = head(div_W1, div_b1, div_W2, div_b2)
    novelty = head(nov_W1, nov_b1, nov_W2, nov_b2)
    return (relevance, diversity, novelty)

if __name__ == "__main__":
    import jax
    _d = setup_inputs()
    print(jax.jit(kernel)(*tuple(_d.values())))

</pallas_src>

<mosaic_0001>
#map = affine_map<(d0, d1) -> (0, 0)>
#map1 = affine_map<(d0, d1) -> (0)>
module attributes {stable_mosaic.version = 14 : i64} {
  func.func @_sc_gather_kernel(%arg0: i32, %arg1: i32, %arg2: memref<1000x128xf32, #tpu.memory_space<hbm>>, %arg3: memref<1000x128xf32, #tpu.memory_space<hbm>>, %arg4: memref<8192xi32, #tpu.memory_space<hbm>>, %arg5: memref<8192xi32, #tpu.memory_space<hbm>>, %arg6: memref<8192x128xf32, #tpu.memory_space<hbm>>, %arg7: memref<8192x128xf32, #tpu.memory_space<hbm>>, %arg8: memref<256xi32, #tpu.memory_space<vmem>>, %arg9: memref<256xi32, #tpu.memory_space<vmem>>, %arg10: memref<128x128xf32, #tpu.memory_space<vmem>>, %arg11: memref<128x128xf32, #tpu.memory_space<vmem>>, %arg12: memref<128x128xf32, #tpu.memory_space<vmem>>, %arg13: memref<128x128xf32, #tpu.memory_space<vmem>>, %arg14: memref<128x128xf32, #tpu.memory_space<vmem>>, %arg15: memref<128x128xf32, #tpu.memory_space<vmem>>, %arg16: memref<!tpu.dma_semaphore, #tpu.memory_space<semaphore_mem>>, %arg17: memref<!tpu.dma_semaphore, #tpu.memory_space<semaphore_mem>>, %arg18: memref<!tpu.dma_semaphore, #tpu.memory_space<semaphore_mem>>, %arg19: memref<!tpu.dma_semaphore, #tpu.memory_space<semaphore_mem>>, %arg20: memref<!tpu.dma_semaphore, #tpu.memory_space<semaphore_mem>>, %arg21: memref<!tpu.dma_semaphore, #tpu.memory_space<semaphore_mem>>, %arg22: memref<!tpu.dma_semaphore, #tpu.memory_space<semaphore_mem>>, %arg23: memref<!tpu.dma_semaphore, #tpu.memory_space<semaphore_mem>>, %arg24: memref<!tpu.dma_semaphore, #tpu.memory_space<semaphore_mem>>, %arg25: memref<!tpu.dma_semaphore, #tpu.memory_space<semaphore_mem>>, %arg26: memref<!tpu.dma_semaphore, #tpu.memory_space<semaphore_mem>>, %arg27: memref<!tpu.dma_semaphore, #tpu.memory_space<semaphore_mem>>) attributes {dimension_semantics = [#tpu.dimension_semantics<core_parallel>, #tpu.dimension_semantics<subcore_parallel>], iteration_bounds = array<i64: 2, 16>, scalar_prefetch = 0 : i64, scratch_operands = 20 : i64, tpu.core_type = #tpu.core_type<sc_vector_subcore>, window_params = [{transform_indices = #map}, {transform_indices = #map}, {transform_indices = #map1}, {transform_indices = #map1}, {transform_indices = #map}, {transform_indices = #map}]} {
    %mul3A = arith.constant 2 : i32
    %mul3A_0 = arith.muli %arg1, %mul3A : i32
    %add3A = arith.addi %mul3A_0, %arg0 : i32
    %mul3A_1 = arith.constant 256 : i32
    %mul3A_2 = arith.muli %add3A, %mul3A_1 : i32
    "tpu.region"() ({
      %run_scoped3A = tpu.sem_alloc : memref<!tpu.dma_semaphore, #tpu.memory_space<semaphore_mem>>
      %dma_start3A_77 = tpu.memref_slice %arg4[%mul3A_2] : memref<8192xi32, #tpu.memory_space<hbm>> -> memref<256xi32, #tpu.memory_space<hbm>>
      %dma_start3A_78 = tpu.memref_slice %arg4[%mul3A_2] : memref<8192xi32, #tpu.memory_space<hbm>> -> memref<256xi32, #tpu.memory_space<hbm>>
      tpu.enqueue_dma source(%dma_start3A_78 : memref<256xi32, #tpu.memory_space<hbm>>) target(%arg8 : memref<256xi32, #tpu.memory_space<vmem>>) target_semaphore(%run_scoped3A : memref<!tpu.dma_semaphore, #tpu.memory_space<semaphore_mem>>)
      %dma_wait3A_79 = tpu.memref_slice %arg4[%mul3A_2] : memref<8192xi32, #tpu.memory_space<hbm>> -> memref<256xi32, #tpu.memory_space<hbm>>
      %dma_wait3A_80 = tpu.memref_slice %arg4[%mul3A_2] : memref<8192xi32, #tpu.memory_space<hbm>> -> memref<256xi32, #tpu.memory_space<hbm>>
      tpu.wait_dma2 semaphore(%run_scoped3A : memref<!tpu.dma_semaphore, #tpu.memory_space<semaphore_mem>>) src(%dma_wait3A_80 : memref<256xi32, #tpu.memory_space<hbm>>) dst(%arg8 : memref<256xi32, #tpu.memory_space<vmem>>)
      tpu.yield
    }) : () -> ()
    "tpu.region"() ({
      %run_scoped3A = tpu.sem_alloc : memref<!tpu.dma_semaphore, #tpu.memory_space<semaphore_mem>>
      %dma_start3A_77 = tpu.memref_slice %arg5[%mul3A_2] : memref<8192xi32, #tpu.memory_space<hbm>> -> memref<256xi32, #tpu.memory_space<hbm>>
      %dma_start3A_78 = tpu.memref_slice %arg5[%mul3A_2] : memref<8192xi32, #tpu.memory_space<hbm>> -> memref<256xi32, #tpu.memory_space<hbm>>
      tpu.enqueue_dma source(%dma_start3A_78 : memref<256xi32, #tpu.memory_space<hbm>>) target(%arg9 : memref<256xi32, #tpu.memory_space<vmem>>) target_semaphore(%run_scoped3A : memref<!tpu.dma_semaphore, #tpu.memory_space<semaphore_mem>>)
      %dma_wait3A_79 = tpu.memref_slice %arg5[%mul3A_2] : memref<8192xi32, #tpu.memory_space<hbm>> -> memref<256xi32, #tpu.memory_space<hbm>>
      %dma_wait3A_80 = tpu.memref_slice %arg5[%mul3A_2] : memref<8192xi32, #tpu.memory_space<hbm>> -> memref<256xi32, #tpu.memory_space<hbm>>
      tpu.wait_dma2 semaphore(%run_scoped3A : memref<!tpu.dma_semaphore, #tpu.memory_space<semaphore_mem>>) src(%dma_wait3A_80 : memref<256xi32, #tpu.memory_space<hbm>>) dst(%arg9 : memref<256xi32, #tpu.memory_space<vmem>>)
      tpu.yield
    }) : () -> ()
    %dma_start3A = arith.constant 0 : i32
    %dma_start3A_3 = tpu.memref_slice %arg8[%dma_start3A] : memref<256xi32, #tpu.memory_space<vmem>> -> memref<128xi32, #tpu.memory_space<vmem>>
    %dma_start3A_4 = arith.constant 0 : i32
    %dma_start3A_5 = arith.constant 0 : i32
    %dma_start3A_6 = tpu.memref_slice %arg2[%dma_start3A_4, %dma_start3A_5] : memref<1000x128xf32, #tpu.memory_space<hbm>> -> memref<1000x128xf32, #tpu.memory_space<hbm>>
    tpu.enqueue_indirect_dma source(%dma_start3A_6 : memref<1000x128xf32, #tpu.memory_space<hbm>>) target(%arg10 : memref<128x128xf32, #tpu.memory_space<vmem>>) offsets(%dma_start3A_3 : memref<128xi32, #tpu.memory_space<vmem>>) semaphore(%arg16 : memref<!tpu.dma_semaphore, #tpu.memory_space<semaphore_mem>>)
    %dma_start3A_7 = arith.constant 0 : i32
    %dma_start3A_8 = tpu.memref_slice %arg9[%dma_start3A_7] : memref<256xi32, #tpu.memory_space<vmem>> -> memref<128xi32, #tpu.memory_space<vmem>>
    %dma_start3A_9 = arith.constant 0 : i32
    %dma_start3A_10 = arith.constant 0 : i32
    %dma_start3A_11 = tpu.memref_slice %arg3[%dma_start3A_9, %dma_start3A_10] : memref<1000x128xf32, #tpu.memory_space<hbm>> -> memref<1000x128xf32, #tpu.memory_space<hbm>>
    tpu.enqueue_indirect_dma source(%dma_start3A_11 : memref<1000x128xf32, #tpu.memory_space<hbm>>) target(%arg13 : memref<128x128xf32, #tpu.memory_space<vmem>>) offsets(%dma_start3A_8 : memref<128xi32, #tpu.memory_space<vmem>>) semaphore(%arg19 : memref<!tpu.dma_semaphore, #tpu.memory_space<semaphore_mem>>)
    %dma_start3A_12 = arith.constant 128 : i32
    %dma_start3A_13 = tpu.memref_slice %arg8[%dma_start3A_12] : memref<256xi32, #tpu.memory_space<vmem>> -> memref<128xi32, #tpu.memory_space<vmem>>
    %dma_start3A_14 = arith.constant 0 : i32
    %dma_start3A_15 = arith.constant 0 : i32
    %dma_start3A_16 = tpu.memref_slice %arg2[%dma_start3A_14, %dma_start3A_15] : memref<1000x128xf32, #tpu.memory_space<hbm>> -> memref<1000x128xf32, #tpu.memory_space<hbm>>
    tpu.enqueue_indirect_dma source(%dma_start3A_16 : memref<1000x128xf32, #tpu.memory_space<hbm>>) target(%arg11 : memref<128x128xf32, #tpu.memory_space<vmem>>) offsets(%dma_start3A_13 : memref<128xi32, #tpu.memory_space<vmem>>) semaphore(%arg17 : memref<!tpu.dma_semaphore, #tpu.memory_space<semaphore_mem>>)
    %dma_start3A_17 = arith.constant 128 : i32
    %dma_start3A_18 = tpu.memref_slice %arg9[%dma_start3A_17] : memref<256xi32, #tpu.memory_space<vmem>> -> memref<128xi32, #tpu.memory_space<vmem>>
    %dma_start3A_19 = arith.constant 0 : i32
    %dma_start3A_20 = arith.constant 0 : i32
    %dma_start3A_21 = tpu.memref_slice %arg3[%dma_start3A_19, %dma_start3A_20] : memref<1000x128xf32, #tpu.memory_space<hbm>> -> memref<1000x128xf32, #tpu.memory_space<hbm>>
    tpu.enqueue_indirect_dma source(%dma_start3A_21 : memref<1000x128xf32, #tpu.memory_space<hbm>>) target(%arg14 : memref<128x128xf32, #tpu.memory_space<vmem>>) offsets(%dma_start3A_18 : memref<128xi32, #tpu.memory_space<vmem>>) semaphore(%arg20 : memref<!tpu.dma_semaphore, #tpu.memory_space<semaphore_mem>>)
    %add3A_22 = arith.constant 0 : i32
    %add3A_23 = arith.addi %mul3A_2, %add3A_22 : i32
    %dma_wait3A = arith.constant 0 : i32
    %dma_wait3A_24 = tpu.memref_slice %arg8[%dma_wait3A] : memref<256xi32, #tpu.memory_space<vmem>> -> memref<128xi32, #tpu.memory_space<vmem>>
    %dma_wait3A_25 = arith.constant 0 : i32
    %dma_wait3A_26 = arith.constant 0 : i32
    %dma_wait3A_27 = tpu.memref_slice %arg2[%dma_wait3A_25, %dma_wait3A_26] : memref<1000x128xf32, #tpu.memory_space<hbm>> -> memref<1000x128xf32, #tpu.memory_space<hbm>>
    tpu.wait_indirect_dma semaphore(%arg16 : memref<!tpu.dma_semaphore, #tpu.memory_space<semaphore_mem>>) src(%dma_wait3A_27 : memref<1000x128xf32, #tpu.memory_space<hbm>>) dst(%arg10 : memref<128x128xf32, #tpu.memory_space<vmem>>)
    %dma_wait3A_28 = arith.constant 0 : i32
    %dma_wait3A_29 = tpu.memref_slice %arg9[%dma_wait3A_28] : memref<256xi32, #tpu.memory_space<vmem>> -> memref<128xi32, #tpu.memory_space<vmem>>
    %dma_wait3A_30 = arith.constant 0 : i32
    %dma_wait3A_31 = arith.constant 0 : i32
    %dma_wait3A_32 = tpu.memref_slice %arg3[%dma_wait3A_30, %dma_wait3A_31] : memref<1000x128xf32, #tpu.memory_space<hbm>> -> memref<1000x128xf32, #tpu.memory_space<hbm>>
    tpu.wait_indirect_dma semaphore(%arg19 : memref<!tpu.dma_semaphore, #tpu.memory_space<semaphore_mem>>) src(%dma_wait3A_32 : memref<1000x128xf32, #tpu.memory_space<hbm>>) dst(%arg13 : memref<128x128xf32, #tpu.memory_space<vmem>>)
    %dma_start3A_33 = arith.constant 0 : i32
    %dma_start3A_34 = tpu.memref_slice %arg6[%add3A_23, %dma_start3A_33] : memref<8192x128xf32, #tpu.memory_space<hbm>> -> memref<128x128xf32, #tpu.memory_space<hbm>>
    %dma_start3A_35 = arith.constant 0 : i32
    %dma_start3A_36 = tpu.memref_slice %arg6[%add3A_23, %dma_start3A_35] : memref<8192x128xf32, #tpu.memory_space<hbm>> -> memref<128x128xf32, #tpu.memory_space<hbm>>
    tpu.enqueue_dma source(%arg10 : memref<128x128xf32, #tpu.memory_space<vmem>>) target(%dma_start3A_36 : memref<128x128xf32, #tpu.memory_space<hbm>>) target_semaphore(%arg22 : memref<!tpu.dma_semaphore, #tpu.memory_space<semaphore_mem>>)
    %dma_start3A_37 = arith.constant 0 : i32
    %dma_start3A_38 = tpu.memref_slice %arg7[%add3A_23, %dma_start3A_37] : memref<8192x128xf32, #tpu.memory_space<hbm>> -> memref<128x128xf32, #tpu.memory_space<hbm>>
    %dma_start3A_39 = arith.constant 0 : i32
    %dma_start3A_40 = tpu.memref_slice %arg7[%add3A_23, %dma_start3A_39] : memref<8192x128xf32, #tpu.memory_space<hbm>> -> memref<128x128xf32, #tpu.memory_space<hbm>>
    tpu.enqueue_dma source(%arg13 : memref<128x128xf32, #tpu.memory_space<vmem>>) target(%dma_start3A_40 : memref<128x128xf32, #tpu.memory_space<hbm>>) target_semaphore(%arg25 : memref<!tpu.dma_semaphore, #tpu.memory_space<semaphore_mem>>)
    %add3A_41 = arith.constant 128 : i32
    %add3A_42 = arith.addi %mul3A_2, %add3A_41 : i32
    %dma_wait3A_43 = arith.constant 128 : i32
    %dma_wait3A_44 = tpu.memref_slice %arg8[%dma_wait3A_43] : memref<256xi32, #tpu.memory_space<vmem>> -> memref<128xi32, #tpu.memory_space<vmem>>
    %dma_wait3A_45 = arith.constant 0 : i32
    %dma_wait3A_46 = arith.constant 0 : i32
    %dma_wait3A_47 = tpu.memref_slice %arg2[%dma_wait3A_45, %dma_wait3A_46] : memref<1000x128xf32, #tpu.memory_space<hbm>> -> memref<1000x128xf32, #tpu.memory_space<hbm>>
    tpu.wait_indirect_dma semaphore(%arg17 : memref<!tpu.dma_semaphore, #tpu.memory_space<semaphore_mem>>) src(%dma_wait3A_47 : memref<1000x128xf32, #tpu.memory_space<hbm>>) dst(%arg11 : memref<128x128xf32, #tpu.memory_space<vmem>>)
    %dma_wait3A_48 = arith.constant 128 : i32
    %dma_wait3A_49 = tpu.memref_slice %arg9[%dma_wait3A_48] : memref<256xi32, #tpu.memory_space<vmem>> -> memref<128xi32, #tpu.memory_space<vmem>>
    %dma_wait3A_50 = arith.constant 0 : i32
    %dma_wait3A_51 = arith.constant 0 : i32
    %dma_wait3A_52 = tpu.memref_slice %arg3[%dma_wait3A_50, %dma_wait3A_51] : memref<1000x128xf32, #tpu.memory_space<hbm>> -> memref<1000x128xf32, #tpu.memory_space<hbm>>
    tpu.wait_indirect_dma semaphore(%arg20 : memref<!tpu.dma_semaphore, #tpu.memory_space<semaphore_mem>>) src(%dma_wait3A_52 : memref<1000x128xf32, #tpu.memory_space<hbm>>) dst(%arg14 : memref<128x128xf32, #tpu.memory_space<vmem>>)
    %dma_start3A_53 = arith.constant 0 : i32
    %dma_start3A_54 = tpu.memref_slice %arg6[%add3A_42, %dma_start3A_53] : memref<8192x128xf32, #tpu.memory_space<hbm>> -> memref<128x128xf32, #tpu.memory_space<hbm>>
    %dma_start3A_55 = arith.constant 0 : i32
    %dma_start3A_56 = tpu.memref_slice %arg6[%add3A_42, %dma_start3A_55] : memref<8192x128xf32, #tpu.memory_space<hbm>> -> memref<128x128xf32, #tpu.memory_space<hbm>>
    tpu.enqueue_dma source(%arg11 : memref<128x128xf32, #tpu.memory_space<vmem>>) target(%dma_start3A_56 : memref<128x128xf32, #tpu.memory_space<hbm>>) target_semaphore(%arg23 : memref<!tpu.dma_semaphore, #tpu.memory_space<semaphore_mem>>)
    %dma_start3A_57 = arith.constant 0 : i32
    %dma_start3A_58 = tpu.memref_slice %arg7[%add3A_42, %dma_start3A_57] : memref<8192x128xf32, #tpu.memory_space<hbm>> -> memref<128x128xf32, #tpu.memory_space<hbm>>
    %dma_start3A_59 = arith.constant 0 : i32
    %dma_start3A_60 = tpu.memref_slice %arg7[%add3A_42, %dma_start3A_59] : memref<8192x128xf32, #tpu.memory_space<hbm>> -> memref<128x128xf32, #tpu.memory_space<hbm>>
    tpu.enqueue_dma source(%arg14 : memref<128x128xf32, #tpu.memory_space<vmem>>) target(%dma_start3A_60 : memref<128x128xf32, #tpu.memory_space<hbm>>) target_semaphore(%arg26 : memref<!tpu.dma_semaphore, #tpu.memory_space<semaphore_mem>>)
    %dma_wait3A_61 = arith.constant 0 : i32
    %dma_wait3A_62 = tpu.memref_slice %arg6[%add3A_23, %dma_wait3A_61] : memref<8192x128xf32, #tpu.memory_space<hbm>> -> memref<128x128xf32, #tpu.memory_space<hbm>>
    %dma_wait3A_63 = arith.constant 0 : i32
    %dma_wait3A_64 = tpu.memref_slice %arg6[%add3A_23, %dma_wait3A_63] : memref<8192x128xf32, #tpu.memory_space<hbm>> -> memref<128x128xf32, #tpu.memory_space<hbm>>
    tpu.wait_dma2 semaphore(%arg22 : memref<!tpu.dma_semaphore, #tpu.memory_space<semaphore_mem>>) src(%arg10 : memref<128x128xf32, #tpu.memory_space<vmem>>) dst(%dma_wait3A_64 : memref<128x128xf32, #tpu.memory_space<hbm>>)
    %dma_wait3A_65 = arith.constant 0 : i32
    %dma_wait3A_66 = tpu.memref_slice %arg7[%add3A_23, %dma_wait3A_65] : memref<8192x128xf32, #tpu.memory_space<hbm>> -> memref<128x128xf32, #tpu.memory_space<hbm>>
    %dma_wait3A_67 = arith.constant 0 : i32
    %dma_wait3A_68 = tpu.memref_slice %arg7[%add3A_23, %dma_wait3A_67] : memref<8192x128xf32, #tpu.memory_space<hbm>> -> memref<128x128xf32, #tpu.memory_space<hbm>>
    tpu.wait_dma2 semaphore(%arg25 : memref<!tpu.dma_semaphore, #tpu.memory_space<semaphore_mem>>) src(%arg13 : memref<128x128xf32, #tpu.memory_space<vmem>>) dst(%dma_wait3A_68 : memref<128x128xf32, #tpu.memory_space<hbm>>)
    %dma_wait3A_69 = arith.constant 0 : i32
    %dma_wait3A_70 = tpu.memref_slice %arg6[%add3A_42, %dma_wait3A_69] : memref<8192x128xf32, #tpu.memory_space<hbm>> -> memref<128x128xf32, #tpu.memory_space<hbm>>
    %dma_wait3A_71 = arith.constant 0 : i32
    %dma_wait3A_72 = tpu.memref_slice %arg6[%add3A_42, %dma_wait3A_71] : memref<8192x128xf32, #tpu.memory_space<hbm>> -> memref<128x128xf32, #tpu.memory_space<hbm>>
    tpu.wait_dma2 semaphore(%arg23 : memref<!tpu.dma_semaphore, #tpu.memory_space<semaphore_mem>>) src(%arg11 : memref<128x128xf32, #tpu.memory_space<vmem>>) dst(%dma_wait3A_72 : memref<128x128xf32, #tpu.memory_space<hbm>>)
    %dma_wait3A_73 = arith.constant 0 : i32
    %dma_wait3A_74 = tpu.memref_slice %arg7[%add3A_42, %dma_wait3A_73] : memref<8192x128xf32, #tpu.memory_space<hbm>> -> memref<128x128xf32, #tpu.memory_space<hbm>>
    %dma_wait3A_75 = arith.constant 0 : i32
    %dma_wait3A_76 = tpu.memref_slice %arg7[%add3A_42, %dma_wait3A_75] : memref<8192x128xf32, #tpu.memory_space<hbm>> -> memref<128x128xf32, #tpu.memory_space<hbm>>
    tpu.wait_dma2 semaphore(%arg26 : memref<!tpu.dma_semaphore, #tpu.memory_space<semaphore_mem>>) src(%arg14 : memref<128x128xf32, #tpu.memory_space<vmem>>) dst(%dma_wait3A_76 : memref<128x128xf32, #tpu.memory_space<hbm>>)
    return
  }
}

#map = affine_map<(d0, d1) -> (0, 0)>
#map1 = affine_map<(d0, d1) -> (0)>
module attributes {stable_mosaic.version = 14 : i64} {
  func.func @_sc_gather_kernel(%arg0: i32, %arg1: i32, %arg2: memref<1000x128xf32, #tpu.memory_space<hbm>>, %arg3: memref<1000x128xf32, #tpu.memory_space<hbm>>, %arg4: memref<8192xi32, #tpu.memory_space<hbm>>, %arg5: memref<8192xi32, #tpu.memory_space<hbm>>, %arg6: memref<8192x128xf32, #tpu.memory_space<hbm>>, %arg7: memref<8192x128xf32, #tpu.memory_space<hbm>>, %arg8: memref<256xi32, #tpu.memory_space<vmem>>, %arg9: memref<256xi32, #tpu.memory_space<vmem>>, %arg10: memref<128x128xf32, #tpu.memory_space<vmem>>, %arg11: memref<128x128xf32, #tpu.memory_space<vmem>>, %arg12: memref<128x128xf32, #tpu.memory_space<vmem>>, %arg13: memref<128x128xf32, #tpu.memory_space<vmem>>, %arg14: memref<128x128xf32, #tpu.memory_space<vmem>>, %arg15: memref<128x128xf32, #tpu.memory_space<vmem>>, %arg16: memref<!tpu.dma_semaphore, #tpu.memory_space<semaphore_mem>>, %arg17: memref<!tpu.dma_semaphore, #tpu.memory_space<semaphore_mem>>, %arg18: memref<!tpu.dma_semaphore, #tpu.memory_space<semaphore_mem>>, %arg19: memref<!tpu.dma_semaphore, #tpu.memory_space<semaphore_mem>>, %arg20: memref<!tpu.dma_semaphore, #tpu.memory_space<semaphore_mem>>, %arg21: memref<!tpu.dma_semaphore, #tpu.memory_space<semaphore_mem>>, %arg22: memref<!tpu.dma_semaphore, #tpu.memory_space<semaphore_mem>>, %arg23: memref<!tpu.dma_semaphore, #tpu.memory_space<semaphore_mem>>, %arg24: memref<!tpu.dma_semaphore, #tpu.memory_space<semaphore_mem>>, %arg25: memref<!tpu.dma_semaphore, #tpu.memory_space<semaphore_mem>>, %arg26: memref<!tpu.dma_semaphore, #tpu.memory_space<semaphore_mem>>, %arg27: memref<!tpu.dma_semaphore, #tpu.memory_space<semaphore_mem>>) attributes {dimension_semantics = [#tpu.dimension_semantics<core_parallel>, #tpu.dimension_semantics<subcore_parallel>], iteration_bounds = array<i64: 2, 16>, scalar_prefetch = 0 : i64, scratch_operands = 20 : i64, tpu.core_type = #tpu.core_type<sc_vector_subcore>, window_params = [{transform_indices = #map}, {transform_indices = #map}, {transform_indices = #map1}, {transform_indices = #map1}, {transform_indices = #map}, {transform_indices = #map}]} {
    %mul3A = arith.constant 2 : i32
    %mul3A_0 = arith.muli %arg1, %mul3A : i32
    %add3A = arith.addi %mul3A_0, %arg0 : i32
    %mul3A_1 = arith.constant 256 : i32
    %mul3A_2 = arith.muli %add3A, %mul3A_1 : i32
    "tpu.region"() ({
      %run_scoped3A = tpu.sem_alloc : memref<!tpu.dma_semaphore, #tpu.memory_space<semaphore_mem>>
      %dma_start3A_77 = tpu.memref_slice %arg4[%mul3A_2] : memref<8192xi32, #tpu.memory_space<hbm>> -> memref<256xi32, #tpu.memory_space<hbm>>
      %dma_start3A_78 = tpu.memref_slice %arg4[%mul3A_2] : memref<8192xi32, #tpu.memory_space<hbm>> -> memref<256xi32, #tpu.memory_space<hbm>>
      tpu.enqueue_dma source(%dma_start3A_78 : memref<256xi32, #tpu.memory_space<hbm>>) target(%arg8 : memref<256xi32, #tpu.memory_space<vmem>>) target_semaphore(%run_scoped3A : memref<!tpu.dma_semaphore, #tpu.memory_space<semaphore_mem>>)
      %dma_wait3A_79 = tpu.memref_slice %arg4[%mul3A_2] : memref<8192xi32, #tpu.memory_space<hbm>> -> memref<256xi32, #tpu.memory_space<hbm>>
      %dma_wait3A_80 = tpu.memref_slice %arg4[%mul3A_2] : memref<8192xi32, #tpu.memory_space<hbm>> -> memref<256xi32, #tpu.memory_space<hbm>>
      tpu.wait_dma2 semaphore(%run_scoped3A : memref<!tpu.dma_semaphore, #tpu.memory_space<semaphore_mem>>) src(%dma_wait3A_80 : memref<256xi32, #tpu.memory_space<hbm>>) dst(%arg8 : memref<256xi32, #tpu.memory_space<vmem>>)
      tpu.yield
    }) : () -> ()
    "tpu.region"() ({
      %run_scoped3A = tpu.sem_alloc : memref<!tpu.dma_semaphore, #tpu.memory_space<semaphore_mem>>
      %dma_start3A_77 = tpu.memref_slice %arg5[%mul3A_2] : memref<8192xi32, #tpu.memory_space<hbm>> -> memref<256xi32, #tpu.memory_space<hbm>>
      %dma_start3A_78 = tpu.memref_slice %arg5[%mul3A_2] : memref<8192xi32, #tpu.memory_space<hbm>> -> memref<256xi32, #tpu.memory_space<hbm>>
      tpu.enqueue_dma source(%dma_start3A_78 : memref<256xi32, #tpu.memory_space<hbm>>) target(%arg9 : memref<256xi32, #tpu.memory_space<vmem>>) target_semaphore(%run_scoped3A : memref<!tpu.dma_semaphore, #tpu.memory_space<semaphore_mem>>)
      %dma_wait3A_79 = tpu.memref_slice %arg5[%mul3A_2] : memref<8192xi32, #tpu.memory_space<hbm>> -> memref<256xi32, #tpu.memory_space<hbm>>
      %dma_wait3A_80 = tpu.memref_slice %arg5[%mul3A_2] : memref<8192xi32, #tpu.memory_space<hbm>> -> memref<256xi32, #tpu.memory_space<hbm>>
      tpu.wait_dma2 semaphore(%run_scoped3A : memref<!tpu.dma_semaphore, #tpu.memory_space<semaphore_mem>>) src(%dma_wait3A_80 : memref<256xi32, #tpu.memory_space<hbm>>) dst(%arg9 : memref<256xi32, #tpu.memory_space<vmem>>)
      tpu.yield
    }) : () -> ()
    %dma_start3A = arith.constant 0 : i32
    %dma_start3A_3 = tpu.memref_slice %arg8[%dma_start3A] : memref<256xi32, #tpu.memory_space<vmem>> -> memref<128xi32, #tpu.memory_space<vmem>>
    %dma_start3A_4 = arith.constant 0 : i32
    %dma_start3A_5 = arith.constant 0 : i32
    %dma_start3A_6 = tpu.memref_slice %arg2[%dma_start3A_4, %dma_start3A_5] : memref<1000x128xf32, #tpu.memory_space<hbm>> -> memref<1000x128xf32, #tpu.memory_space<hbm>>
    tpu.enqueue_indirect_dma source(%dma_start3A_6 : memref<1000x128xf32, #tpu.memory_space<hbm>>) target(%arg10 : memref<128x128xf32, #tpu.memory_space<vmem>>) offsets(%dma_start3A_3 : memref<128xi32, #tpu.memory_space<vmem>>) semaphore(%arg16 : memref<!tpu.dma_semaphore, #tpu.memory_space<semaphore_mem>>)
    %dma_start3A_7 = arith.constant 0 : i32
    %dma_start3A_8 = tpu.memref_slice %arg9[%dma_start3A_7] : memref<256xi32, #tpu.memory_space<vmem>> -> memref<128xi32, #tpu.memory_space<vmem>>
    %dma_start3A_9 = arith.constant 0 : i32
    %dma_start3A_10 = arith.constant 0 : i32
    %dma_start3A_11 = tpu.memref_slice %arg3[%dma_start3A_9, %dma_start3A_10] : memref<1000x128xf32, #tpu.memory_space<hbm>> -> memref<1000x128xf32, #tpu.memory_space<hbm>>
    tpu.enqueue_indirect_dma source(%dma_start3A_11 : memref<1000x128xf32, #tpu.memory_space<hbm>>) target(%arg13 : memref<128x128xf32, #tpu.memory_space<vmem>>) offsets(%dma_start3A_8 : memref<128xi32, #tpu.memory_space<vmem>>) semaphore(%arg19 : memref<!tpu.dma_semaphore, #tpu.memory_space<semaphore_mem>>)
    %dma_start3A_12 = arith.constant 128 : i32
    %dma_start3A_13 = tpu.memref_slice %arg8[%dma_start3A_12] : memref<256xi32, #tpu.memory_space<vmem>> -> memref<128xi32, #tpu.memory_space<vmem>>
    %dma_start3A_14 = arith.constant 0 : i32
    %dma_start3A_15 = arith.constant 0 : i32
    %dma_start3A_16 = tpu.memref_slice %arg2[%dma_start3A_14, %dma_start3A_15] : memref<1000x128xf32, #tpu.memory_space<hbm>> -> memref<1000x128xf32, #tpu.memory_space<hbm>>
    tpu.enqueue_indirect_dma source(%dma_start3A_16 : memref<1000x128xf32, #tpu.memory_space<hbm>>) target(%arg11 : memref<128x128xf32, #tpu.memory_space<vmem>>) offsets(%dma_start3A_13 : memref<128xi32, #tpu.memory_space<vmem>>) semaphore(%arg17 : memref<!tpu.dma_semaphore, #tpu.memory_space<semaphore_mem>>)
    %dma_start3A_17 = arith.constant 128 : i32
    %dma_start3A_18 = tpu.memref_slice %arg9[%dma_start3A_17] : memref<256xi32, #tpu.memory_space<vmem>> -> memref<128xi32, #tpu.memory_space<vmem>>
    %dma_start3A_19 = arith.constant 0 : i32
    %dma_start3A_20 = arith.constant 0 : i32
    %dma_start3A_21 = tpu.memref_slice %arg3[%dma_start3A_19, %dma_start3A_20] : memref<1000x128xf32, #tpu.memory_space<hbm>> -> memref<1000x128xf32, #tpu.memory_space<hbm>>
    tpu.enqueue_indirect_dma source(%dma_start3A_21 : memref<1000x128xf32, #tpu.memory_space<hbm>>) target(%arg14 : memref<128x128xf32, #tpu.memory_space<vmem>>) offsets(%dma_start3A_18 : memref<128xi32, #tpu.memory_space<vmem>>) semaphore(%arg20 : memref<!tpu.dma_semaphore, #tpu.memory_space<semaphore_mem>>)
    %add3A_22 = arith.constant 0 : i32
    %add3A_23 = arith.addi %mul3A_2, %add3A_22 : i32
    %dma_wait3A = arith.constant 0 : i32
    %dma_wait3A_24 = tpu.memref_slice %arg8[%dma_wait3A] : memref<256xi32, #tpu.memory_space<vmem>> -> memref<128xi32, #tpu.memory_space<vmem>>
    %dma_wait3A_25 = arith.constant 0 : i32
    %dma_wait3A_26 = arith.constant 0 : i32
    %dma_wait3A_27 = tpu.memref_slice %arg2[%dma_wait3A_25, %dma_wait3A_26] : memref<1000x128xf32, #tpu.memory_space<hbm>> -> memref<1000x128xf32, #tpu.memory_space<hbm>>
    tpu.wait_indirect_dma semaphore(%arg16 : memref<!tpu.dma_semaphore, #tpu.memory_space<semaphore_mem>>) src(%dma_wait3A_27 : memref<1000x128xf32, #tpu.memory_space<hbm>>) dst(%arg10 : memref<128x128xf32, #tpu.memory_space<vmem>>)
    %dma_wait3A_28 = arith.constant 0 : i32
    %dma_wait3A_29 = tpu.memref_slice %arg9[%dma_wait3A_28] : memref<256xi32, #tpu.memory_space<vmem>> -> memref<128xi32, #tpu.memory_space<vmem>>
    %dma_wait3A_30 = arith.constant 0 : i32
    %dma_wait3A_31 = arith.constant 0 : i32
    %dma_wait3A_32 = tpu.memref_slice %arg3[%dma_wait3A_30, %dma_wait3A_31] : memref<1000x128xf32, #tpu.memory_space<hbm>> -> memref<1000x128xf32, #tpu.memory_space<hbm>>
    tpu.wait_indirect_dma semaphore(%arg19 : memref<!tpu.dma_semaphore, #tpu.memory_space<semaphore_mem>>) src(%dma_wait3A_32 : memref<1000x128xf32, #tpu.memory_space<hbm>>) dst(%arg13 : memref<128x128xf32, #tpu.memory_space<vmem>>)
    %dma_start3A_33 = arith.constant 0 : i32
    %dma_start3A_34 = tpu.memref_slice %arg6[%add3A_23, %dma_start3A_33] : memref<8192x128xf32, #tpu.memory_space<hbm>> -> memref<128x128xf32, #tpu.memory_space<hbm>>
    %dma_start3A_35 = arith.constant 0 : i32
    %dma_start3A_36 = tpu.memref_slice %arg6[%add3A_23, %dma_start3A_35] : memref<8192x128xf32, #tpu.memory_space<hbm>> -> memref<128x128xf32, #tpu.memory_space<hbm>>
    tpu.enqueue_dma source(%arg10 : memref<128x128xf32, #tpu.memory_space<vmem>>) target(%dma_start3A_36 : memref<128x128xf32, #tpu.memory_space<hbm>>) target_semaphore(%arg22 : memref<!tpu.dma_semaphore, #tpu.memory_space<semaphore_mem>>)
    %dma_start3A_37 = arith.constant 0 : i32
    %dma_start3A_38 = tpu.memref_slice %arg7[%add3A_23, %dma_start3A_37] : memref<8192x128xf32, #tpu.memory_space<hbm>> -> memref<128x128xf32, #tpu.memory_space<hbm>>
    %dma_start3A_39 = arith.constant 0 : i32
    %dma_start3A_40 = tpu.memref_slice %arg7[%add3A_23, %dma_start3A_39] : memref<8192x128xf32, #tpu.memory_space<hbm>> -> memref<128x128xf32, #tpu.memory_space<hbm>>
    tpu.enqueue_dma source(%arg13 : memref<128x128xf32, #tpu.memory_space<vmem>>) target(%dma_start3A_40 : memref<128x128xf32, #tpu.memory_space<hbm>>) target_semaphore(%arg25 : memref<!tpu.dma_semaphore, #tpu.memory_space<semaphore_mem>>)
    %add3A_41 = arith.constant 128 : i32
    %add3A_42 = arith.addi %mul3A_2, %add3A_41 : i32
    %dma_wait3A_43 = arith.constant 128 : i32
    %dma_wait3A_44 = tpu.memref_slice %arg8[%dma_wait3A_43] : memref<256xi32, #tpu.memory_space<vmem>> -> memref<128xi32, #tpu.memory_space<vmem>>
    %dma_wait3A_45 = arith.constant 0 : i32
    %dma_wait3A_46 = arith.constant 0 : i32
    %dma_wait3A_47 = tpu.memref_slice %arg2[%dma_wait3A_45, %dma_wait3A_46] : memref<1000x128xf32, #tpu.memory_space<hbm>> -> memref<1000x128xf32, #tpu.memory_space<hbm>>
    tpu.wait_indirect_dma semaphore(%arg17 : memref<!tpu.dma_semaphore, #tpu.memory_space<semaphore_mem>>) src(%dma_wait3A_47 : memref<1000x128xf32, #tpu.memory_space<hbm>>) dst(%arg11 : memref<128x128xf32, #tpu.memory_space<vmem>>)
    %dma_wait3A_48 = arith.constant 128 : i32
    %dma_wait3A_49 = tpu.memref_slice %arg9[%dma_wait3A_48] : memref<256xi32, #tpu.memory_space<vmem>> -> memref<128xi32, #tpu.memory_space<vmem>>
    %dma_wait3A_50 = arith.constant 0 : i32
    %dma_wait3A_51 = arith.constant 0 : i32
    %dma_wait3A_52 = tpu.memref_slice %arg3[%dma_wait3A_50, %dma_wait3A_51] : memref<1000x128xf32, #tpu.memory_space<hbm>> -> memref<1000x128xf32, #tpu.memory_space<hbm>>
    tpu.wait_indirect_dma semaphore(%arg20 : memref<!tpu.dma_semaphore, #tpu.memory_space<semaphore_mem>>) src(%dma_wait3A_52 : memref<1000x128xf32, #tpu.memory_space<hbm>>) dst(%arg14 : memref<128x128xf32, #tpu.memory_space<vmem>>)
    %dma_start3A_53 = arith.constant 0 : i32
    %dma_start3A_54 = tpu.memref_slice %arg6[%add3A_42, %dma_start3A_53] : memref<8192x128xf32, #tpu.memory_space<hbm>> -> memref<128x128xf32, #tpu.memory_space<hbm>>
    %dma_start3A_55 = arith.constant 0 : i32
    %dma_start3A_56 = tpu.memref_slice %arg6[%add3A_42, %dma_start3A_55] : memref<8192x128xf32, #tpu.memory_space<hbm>> -> memref<128x128xf32, #tpu.memory_space<hbm>>
    tpu.enqueue_dma source(%arg11 : memref<128x128xf32, #tpu.memory_space<vmem>>) target(%dma_start3A_56 : memref<128x128xf32, #tpu.memory_space<hbm>>) target_semaphore(%arg23 : memref<!tpu.dma_semaphore, #tpu.memory_space<semaphore_mem>>)
    %dma_start3A_57 = arith.constant 0 : i32
    %dma_start3A_58 = tpu.memref_slice %arg7[%add3A_42, %dma_start3A_57] : memref<8192x128xf32, #tpu.memory_space<hbm>> -> memref<128x128xf32, #tpu.memory_space<hbm>>
    %dma_start3A_59 = arith.constant 0 : i32
    %dma_start3A_60 = tpu.memref_slice %arg7[%add3A_42, %dma_start3A_59] : memref<8192x128xf32, #tpu.memory_space<hbm>> -> memref<128x128xf32, #tpu.memory_space<hbm>>
    tpu.enqueue_dma source(%arg14 : memref<128x128xf32, #tpu.memory_space<vmem>>) target(%dma_start3A_60 : memref<128x128xf32, #tpu.memory_space<hbm>>) target_semaphore(%arg26 : memref<!tpu.dma_semaphore, #tpu.memory_space<semaphore_mem>>)
    %dma_wait3A_61 = arith.constant 0 : i32
    %dma_wait3A_62 = tpu.memref_slice %arg6[%add3A_23, %dma_wait3A_61] : memref<8192x128xf32, #tpu.memory_space<hbm>> -> memref<128x128xf32, #tpu.memory_space<hbm>>
    %dma_wait3A_63 = arith.constant 0 : i32
    %dma_wait3A_64 = tpu.memref_slice %arg6[%add3A_23, %dma_wait3A_63] : memref<8192x128xf32, #tpu.memory_space<hbm>> -> memref<128x128xf32, #tpu.memory_space<hbm>>
    tpu.wait_dma2 semaphore(%arg22 : memref<!tpu.dma_semaphore, #tpu.memory_space<semaphore_mem>>) src(%arg10 : memref<128x128xf32, #tpu.memory_space<vmem>>) dst(%dma_wait3A_64 : memref<128x128xf32, #tpu.memory_space<hbm>>)
    %dma_wait3A_65 = arith.constant 0 : i32
    %dma_wait3A_66 = tpu.memref_slice %arg7[%add3A_23, %dma_wait3A_65] : memref<8192x128xf32, #tpu.memory_space<hbm>> -> memref<128x128xf32, #tpu.memory_space<hbm>>
    %dma_wait3A_67 = arith.constant 0 : i32
    %dma_wait3A_68 = tpu.memref_slice %arg7[%add3A_23, %dma_wait3A_67] : memref<8192x128xf32, #tpu.memory_space<hbm>> -> memref<128x128xf32, #tpu.memory_space<hbm>>
    tpu.wait_dma2 semaphore(%arg25 : memref<!tpu.dma_semaphore, #tpu.memory_space<semaphore_mem>>) src(%arg13 : memref<128x128xf32, #tpu.memory_space<vmem>>) dst(%dma_wait3A_68 : memref<128x128xf32, #tpu.memory_space<hbm>>)
    %dma_wait3A_69 = arith.constant 0 : i32
    %dma_wait3A_70 = tpu.memref_slice %arg6[%add3A_42, %dma_wait3A_69] : memref<8192x128xf32, #tpu.memory_space<hbm>> -> memref<128x128xf32, #tpu.memory_space<hbm>>
    %dma_wait3A_71 = arith.constant 0 : i32
    %dma_wait3A_72 = tpu.memref_slice %arg6[%add3A_42, %dma_wait3A_71] : memref<8192x128xf32, #tpu.memory_space<hbm>> -> memref<128x128xf32, #tpu.memory_space<hbm>>
    tpu.wait_dma2 semaphore(%arg23 : memref<!tpu.dma_semaphore, #tpu.memory_space<semaphore_mem>>) src(%arg11 : memref<128x128xf32, #tpu.memory_space<vmem>>) dst(%dma_wait3A_72 : memref<128x128xf32, #tpu.memory_space<hbm>>)
    %dma_wait3A_73 = arith.constant 0 : i32
    %dma_wait3A_74 = tpu.memref_slice %arg7[%add3A_42, %dma_wait3A_73] : memref<8192x128xf32, #tpu.memory_space<hbm>> -> memref<128x128xf32, #tpu.memory_space<hbm>>
    %dma_wait3A_75 = arith.constant 0 : i32
    %dma_wait3A_76 = tpu.memref_slice %arg7[%add3A_42, %dma_wait3A_75] : memref<8192x128xf32, #tpu.memory_space<hbm>> -> memref<128x128xf32, #tpu.memory_space<hbm>>
    tpu.wait_dma2 semaphore(%arg26 : memref<!tpu.dma_semaphore, #tpu.memory_space<semaphore_mem>>) src(%arg14 : memref<128x128xf32, #tpu.memory_space<vmem>>) dst(%dma_wait3A_76 : memref<128x128xf32, #tpu.memory_space<hbm>>)
    return
  }
}

module attributes {stable_mosaic.version = 14 : i64} {
  func.func @_tc_heads_kernel(%arg0: i32, %arg1: memref<2048x128xf32, #tpu.memory_space<vmem>>, %arg2: memref<2048x128xf32, #tpu.memory_space<vmem>>, %arg3: memref<256x512xbf16, #tpu.memory_space<vmem>>, %arg4: memref<1x512xf32, #tpu.memory_space<vmem>>, %arg5: memref<512x1xbf16, #tpu.memory_space<vmem>>, %arg6: memref<1x1xf32, #tpu.memory_space<vmem>>, %arg7: memref<256x512xbf16, #tpu.memory_space<vmem>>, %arg8: memref<1x512xf32, #tpu.memory_space<vmem>>, %arg9: memref<512x1xbf16, #tpu.memory_space<vmem>>, %arg10: memref<1x1xf32, #tpu.memory_space<vmem>>, %arg11: memref<256x512xbf16, #tpu.memory_space<vmem>>, %arg12: memref<1x512xf32, #tpu.memory_space<vmem>>, %arg13: memref<512x1xbf16, #tpu.memory_space<vmem>>, %arg14: memref<1x1xf32, #tpu.memory_space<vmem>>, %arg15: memref<2048xf32, #tpu.memory_space<vmem>>, %arg16: memref<2048xf32, #tpu.memory_space<vmem>>, %arg17: memref<2048xf32, #tpu.memory_space<vmem>>) attributes {dimension_semantics = [#tpu.dimension_semantics<arbitrary>], iteration_bounds = array<i64: 4>, scalar_prefetch = 0 : i64, scratch_operands = 0 : i64, tpu.core_type = #tpu.core_type<tc>, window_params = [{transform_indices = @transform_0, window_bounds = array<i64: 2048, 128>}, {transform_indices = @transform_1, window_bounds = array<i64: 2048, 128>}, {pipeline_mode = #tpu.pipeline_mode<synchronous>, transform_indices = @transform_2, window_bounds = array<i64: 256, 512>}, {pipeline_mode = #tpu.pipeline_mode<synchronous>, transform_indices = @transform_3, window_bounds = array<i64: 1, 512>}, {pipeline_mode = #tpu.pipeline_mode<synchronous>, transform_indices = @transform_4, window_bounds = array<i64: 512, 1>}, {pipeline_mode = #tpu.pipeline_mode<synchronous>, transform_indices = @transform_5, window_bounds = array<i64: 1, 1>}, {pipeline_mode = #tpu.pipeline_mode<synchronous>, transform_indices = @transform_6, window_bounds = array<i64: 256, 512>}, {pipeline_mode = #tpu.pipeline_mode<synchronous>, transform_indices = @transform_7, window_bounds = array<i64: 1, 512>}, {pipeline_mode = #tpu.pipeline_mode<synchronous>, transform_indices = @transform_8, window_bounds = array<i64: 512, 1>}, {pipeline_mode = #tpu.pipeline_mode<synchronous>, transform_indices = @transform_9, window_bounds = array<i64: 1, 1>}, {pipeline_mode = #tpu.pipeline_mode<synchronous>, transform_indices = @transform_10, window_bounds = array<i64: 256, 512>}, {pipeline_mode = #tpu.pipeline_mode<synchronous>, transform_indices = @transform_11, window_bounds = array<i64: 1, 512>}, {pipeline_mode = #tpu.pipeline_mode<synchronous>, transform_indices = @transform_12, window_bounds = array<i64: 512, 1>}, {pipeline_mode = #tpu.pipeline_mode<synchronous>, transform_indices = @transform_13, window_bounds = array<i64: 1, 1>}, {transform_indices = @transform_14, window_bounds = array<i64: 2048>}, {transform_indices = @transform_15, window_bounds = array<i64: 2048>}, {transform_indices = @transform_16, window_bounds = array<i64: 2048>}]} {
    %get3A = arith.constant 0 : index
    %get3A_0 = arith.constant 0 : index
    %get3A_1 = vector.load %arg1[%get3A, %get3A_0] : memref<2048x128xf32, #tpu.memory_space<vmem>>, vector<2048x128xf32>
    %get3A_2 = arith.constant 0 : index
    %get3A_3 = arith.constant 0 : index
    %get3A_4 = vector.load %arg2[%get3A_2, %get3A_3] : memref<2048x128xf32, #tpu.memory_space<vmem>>, vector<2048x128xf32>
    %concatenate3A = tpu.concatenate %get3A_1, %get3A_4 in 1 : vector<2048x128xf32>, vector<2048x128xf32> -> vector<2048x256xf32>
    %convert_element_type3A = arith.truncf %concatenate3A : vector<2048x256xf32> to vector<2048x256xbf16>
    %get3A_5 = arith.constant 0 : index
    %get3A_6 = arith.constant 0 : index
    %get3A_7 = vector.load %arg3[%get3A_5, %get3A_6] : memref<256x512xbf16, #tpu.memory_space<vmem>>, vector<256x512xbf16>
    %dot_general3A = arith.constant dense<0.000000e+00> : vector<2048x512xf32>
    %dot_general3A_8 = tpu.matmul %convert_element_type3A, %get3A_7, %dot_general3A {dimension_numbers = #tpu.dot_dimension_numbers<[1], [0], [0], [1], [0, 0, 1, 1], [], []>, transpose_lhs_hint = false} : vector<2048x256xbf16>, vector<256x512xbf16>, vector<2048x512xf32> -> vector<2048x512xf32>
    %get3A_9 = arith.constant 0 : index
    %get3A_10 = arith.constant 0 : index
    %get3A_11 = vector.load %arg4[%get3A_9, %get3A_10] : memref<1x512xf32, #tpu.memory_space<vmem>>, vector<1x512xf32>
    %add3A = vector.broadcast %get3A_11 : vector<1x512xf32> to vector<2048x512xf32>
    %add3A_12 = arith.addf %dot_general3A_8, %add3A : vector<2048x512xf32>
    %max3A = arith.constant 0.000000e+00 : f32
    %max3A_13 = vector.broadcast %max3A : f32 to vector<2048x512xf32>
    %max3A_14 = arith.maximumf %add3A_12, %max3A_13 : vector<2048x512xf32>
    %convert_element_type3A_15 = arith.truncf %max3A_14 : vector<2048x512xf32> to vector<2048x512xbf16>
    %get3A_16 = arith.constant 0 : index
    %get3A_17 = arith.constant 0 : index
    %get3A_18 = vector.load %arg5[%get3A_16, %get3A_17] : memref<512x1xbf16, #tpu.memory_space<vmem>>, vector<512x1xbf16>
    %dot_general3A_19 = arith.constant dense<0.000000e+00> : vector<1x2048xf32>
    %dot_general3A_20 = tpu.matmul %get3A_18, %convert_element_type3A_15, %dot_general3A_19 {dimension_numbers = #tpu.dot_dimension_numbers<[0], [1], [1], [0], [0, 1, 1, 0], [], []>, transpose_lhs_hint = false} : vector<512x1xbf16>, vector<2048x512xbf16>, vector<1x2048xf32> -> vector<1x2048xf32>
    %reshape3A = vector.shape_cast %dot_general3A_20 : vector<1x2048xf32> to vector<2048xf32>
    %get3A_21 = arith.constant 0 : index
    %get3A_22 = arith.constant 0 : index
    %get3A_23 = vector.load %arg6[%get3A_21, %get3A_22] : memref<1x1xf32, #tpu.memory_space<vmem>>, vector<1x1xf32>
    %get3A_24 = vector.extract %get3A_23[0, 0] : f32 from vector<1x1xf32>
    %add3A_25 = vector.broadcast %get3A_24 : f32 to vector<2048xf32>
    %add3A_26 = arith.addf %reshape3A, %add3A_25 : vector<2048xf32>
    %swap3A = arith.constant 0 : index
    %swap3A_27 = vector.load %arg15[%swap3A] : memref<2048xf32, #tpu.memory_space<vmem>>, vector<2048xf32>
    tpu.vector_store %arg15[%swap3A], %add3A_26 {strides = array<i32>} : memref<2048xf32, #tpu.memory_space<vmem>>, vector<2048xf32>,
    %get3A_28 = arith.constant 0 : index
    %get3A_29 = arith.constant 0 : index
    %get3A_30 = vector.load %arg7[%get3A_28, %get3A_29] : memref<256x512xbf16, #tpu.memory_space<vmem>>, vector<256x512xbf16>
    %dot_general3A_31 = arith.constant dense<0.000000e+00> : vector<2048x512xf32>
    %dot_general3A_32 = tpu.matmul %convert_element_type3A, %get3A_30, %dot_general3A_31 {dimension_numbers = #tpu.dot_dimension_numbers<[1], [0], [0], [1], [0, 0, 1, 1], [], []>, transpose_lhs_hint = false} : vector<2048x256xbf16>, vector<256x512xbf16>, vector<2048x512xf32> -> vector<2048x512xf32>
    %get3A_33 = arith.constant 0 : index
    %get3A_34 = arith.constant 0 : index
    %get3A_35 = vector.load %arg8[%get3A_33, %get3A_34] : memref<1x512xf32, #tpu.memory_space<vmem>>, vector<1x512xf32>
    %add3A_36 = vector.broadcast %get3A_35 : vector<1x512xf32> to vector<2048x512xf32>
    %add3A_37 = arith.addf %dot_general3A_32, %add3A_36 : vector<2048x512xf32>
    %max3A_38 = arith.constant 0.000000e+00 : f32
    %max3A_39 = vector.broadcast %max3A_38 : f32 to vector<2048x512xf32>
    %max3A_40 = arith.maximumf %add3A_37, %max3A_39 : vector<2048x512xf32>
    %convert_element_type3A_41 = arith.truncf %max3A_40 : vector<2048x512xf32> to vector<2048x512xbf16>
    %get3A_42 = arith.constant 0 : index
    %get3A_43 = arith.constant 0 : index
    %get3A_44 = vector.load %arg9[%get3A_42, %get3A_43] : memref<512x1xbf16, #tpu.memory_space<vmem>>, vector<512x1xbf16>
    %dot_general3A_45 = arith.constant dense<0.000000e+00> : vector<1x2048xf32>
    %dot_general3A_46 = tpu.matmul %get3A_44, %convert_element_type3A_41, %dot_general3A_45 {dimension_numbers = #tpu.dot_dimension_numbers<[0], [1], [1], [0], [0, 1, 1, 0], [], []>, transpose_lhs_hint = false} : vector<512x1xbf16>, vector<2048x512xbf16>, vector<1x2048xf32> -> vector<1x2048xf32>
    %reshape3A_47 = vector.shape_cast %dot_general3A_46 : vector<1x2048xf32> to vector<2048xf32>
    %get3A_48 = arith.constant 0 : index
    %get3A_49 = arith.constant 0 : index
    %get3A_50 = vector.load %arg10[%get3A_48, %get3A_49] : memref<1x1xf32, #tpu.memory_space<vmem>>, vector<1x1xf32>
    %get3A_51 = vector.extract %get3A_50[0, 0] : f32 from vector<1x1xf32>
    %add3A_52 = vector.broadcast %get3A_51 : f32 to vector<2048xf32>
    %add3A_53 = arith.addf %reshape3A_47, %add3A_52 : vector<2048xf32>
    %swap3A_54 = arith.constant 0 : index
    %swap3A_55 = vector.load %arg16[%swap3A_54] : memref<2048xf32, #tpu.memory_space<vmem>>, vector<2048xf32>
    tpu.vector_store %arg16[%swap3A_54], %add3A_53 {strides = array<i32>} : memref<2048xf32, #tpu.memory_space<vmem>>, vector<2048xf32>,
    %get3A_56 = arith.constant 0 : index
    %get3A_57 = arith.constant 0 : index
    %get3A_58 = vector.load %arg11[%get3A_56, %get3A_57] : memref<256x512xbf16, #tpu.memory_space<vmem>>, vector<256x512xbf16>
    %dot_general3A_59 = arith.constant dense<0.000000e+00> : vector<2048x512xf32>
    %dot_general3A_60 = tpu.matmul %convert_element_type3A, %get3A_58, %dot_general3A_59 {dimension_numbers = #tpu.dot_dimension_numbers<[1], [0], [0], [1], [0, 0, 1, 1], [], []>, transpose_lhs_hint = false} : vector<2048x256xbf16>, vector<256x512xbf16>, vector<2048x512xf32> -> vector<2048x512xf32>
    %get3A_61 = arith.constant 0 : index
    %get3A_62 = arith.constant 0 : index
    %get3A_63 = vector.load %arg12[%get3A_61, %get3A_62] : memref<1x512xf32, #tpu.memory_space<vmem>>, vector<1x512xf32>
    %add3A_64 = vector.broadcast %get3A_63 : vector<1x512xf32> to vector<2048x512xf32>
    %add3A_65 = arith.addf %dot_general3A_60, %add3A_64 : vector<2048x512xf32>
    %max3A_66 = arith.constant 0.000000e+00 : f32
    %max3A_67 = vector.broadcast %max3A_66 : f32 to vector<2048x512xf32>
    %max3A_68 = arith.maximumf %add3A_65, %max3A_67 : vector<2048x512xf32>
    %convert_element_type3A_69 = arith.truncf %max3A_68 : vector<2048x512xf32> to vector<2048x512xbf16>
    %get3A_70 = arith.constant 0 : index
    %get3A_71 = arith.constant 0 : index
    %get3A_72 = vector.load %arg13[%get3A_70, %get3A_71] : memref<512x1xbf16, #tpu.memory_space<vmem>>, vector<512x1xbf16>
    %dot_general3A_73 = arith.constant dense<0.000000e+00> : vector<1x2048xf32>
    %dot_general3A_74 = tpu.matmul %get3A_72, %convert_element_type3A_69, %dot_general3A_73 {dimension_numbers = #tpu.dot_dimension_numbers<[0], [1], [1], [0], [0, 1, 1, 0], [], []>, transpose_lhs_hint = false} : vector<512x1xbf16>, vector<2048x512xbf16>, vector<1x2048xf32> -> vector<1x2048xf32>
    %reshape3A_75 = vector.shape_cast %dot_general3A_74 : vector<1x2048xf32> to vector<2048xf32>
    %get3A_76 = arith.constant 0 : index
    %get3A_77 = arith.constant 0 : index
    %get3A_78 = vector.load %arg14[%get3A_76, %get3A_77] : memref<1x1xf32, #tpu.memory_space<vmem>>, vector<1x1xf32>
    %get3A_79 = vector.extract %get3A_78[0, 0] : f32 from vector<1x1xf32>
    %add3A_80 = vector.broadcast %get3A_79 : f32 to vector<2048xf32>
    %add3A_81 = arith.addf %reshape3A_75, %add3A_80 : vector<2048xf32>
    %swap3A_82 = arith.constant 0 : index
    %swap3A_83 = vector.load %arg17[%swap3A_82] : memref<2048xf32, #tpu.memory_space<vmem>>, vector<2048xf32>
    tpu.vector_store %arg17[%swap3A_82], %add3A_81 {strides = array<i32>} : memref<2048xf32, #tpu.memory_space<vmem>>, vector<2048xf32>,
    return
  }
  func.func @transform_0(%arg0: i32) -> (i32, i32) {
    %c0_i32 = arith.constant 0 : i32
    %c0_i32_0 = arith.constant 0 : i32
    return %arg0, %c0_i32 : i32, i32
  }
  func.func @transform_1(%arg0: i32) -> (i32, i32) {
    %c0_i32 = arith.constant 0 : i32
    %c0_i32_0 = arith.constant 0 : i32
    return %arg0, %c0_i32 : i32, i32
  }
  func.func @transform_2(%arg0: i32) -> (i32, i32) {
    %c0_i32 = arith.constant 0 : i32
    %c0_i32_0 = arith.constant 0 : i32
    %c0_i32_1 = arith.constant 0 : i32
    return %c0_i32, %c0_i32_0 : i32, i32
  }
  func.func @transform_3(%arg0: i32) -> (i32, i32) {
    %c0_i32 = arith.constant 0 : i32
    %c0_i32_0 = arith.constant 0 : i32
    %c0_i32_1 = arith.constant 0 : i32
    return %c0_i32, %c0_i32_0 : i32, i32
  }
  func.func @transform_4(%arg0: i32) -> (i32, i32) {
    %c0_i32 = arith.constant 0 : i32
    %c0_i32_0 = arith.constant 0 : i32
    %c0_i32_1 = arith.constant 0 : i32
    return %c0_i32, %c0_i32_0 : i32, i32
  }
  func.func @transform_5(%arg0: i32) -> (i32, i32) {
    %c0_i32 = arith.constant 0 : i32
    %c0_i32_0 = arith.constant 0 : i32
    %c0_i32_1 = arith.constant 0 : i32
    return %c0_i32, %c0_i32_0 : i32, i32
  }
  func.func @transform_6(%arg0: i32) -> (i32, i32) {
    %c0_i32 = arith.constant 0 : i32
    %c0_i32_0 = arith.constant 0 : i32
    %c0_i32_1 = arith.constant 0 : i32
    return %c0_i32, %c0_i32_0 : i32, i32
  }
  func.func @transform_7(%arg0: i32) -> (i32, i32) {
    %c0_i32 = arith.constant 0 : i32
    %c0_i32_0 = arith.constant 0 : i32
    %c0_i32_1 = arith.constant 0 : i32
    return %c0_i32, %c0_i32_0 : i32, i32
  }
  func.func @transform_8(%arg0: i32) -> (i32, i32) {
    %c0_i32 = arith.constant 0 : i32
    %c0_i32_0 = arith.constant 0 : i32
    %c0_i32_1 = arith.constant 0 : i32
    return %c0_i32, %c0_i32_0 : i32, i32
  }
  func.func @transform_9(%arg0: i32) -> (i32, i32) {
    %c0_i32 = arith.constant 0 : i32
    %c0_i32_0 = arith.constant 0 : i32
    %c0_i32_1 = arith.constant 0 : i32
    return %c0_i32, %c0_i32_0 : i32, i32
  }
  func.func @transform_10(%arg0: i32) -> (i32, i32) {
    %c0_i32 = arith.constant 0 : i32
    %c0_i32_0 = arith.constant 0 : i32
    %c0_i32_1 = arith.constant 0 : i32
    return %c0_i32, %c0_i32_0 : i32, i32
  }
  func.func @transform_11(%arg0: i32) -> (i32, i32) {
    %c0_i32 = arith.constant 0 : i32
    %c0_i32_0 = arith.constant 0 : i32
    %c0_i32_1 = arith.constant 0 : i32
    return %c0_i32, %c0_i32_0 : i32, i32
  }
  func.func @transform_12(%arg0: i32) -> (i32, i32) {
    %c0_i32 = arith.constant 0 : i32
    %c0_i32_0 = arith.constant 0 : i32
    %c0_i32_1 = arith.constant 0 : i32
    return %c0_i32, %c0_i32_0 : i32, i32
  }
  func.func @transform_13(%arg0: i32) -> (i32, i32) {
    %c0_i32 = arith.constant 0 : i32
    %c0_i32_0 = arith.constant 0 : i32
    %c0_i32_1 = arith.constant 0 : i32
    return %c0_i32, %c0_i32_0 : i32, i32
  }
  func.func @transform_14(%arg0: i32) -> i32 {
    %c0_i32 = arith.constant 0 : i32
    return %arg0 : i32
  }
  func.func @transform_15(%arg0: i32) -> i32 {
    %c0_i32 = arith.constant 0 : i32
    return %arg0 : i32
  }
  func.func @transform_16(%arg0: i32) -> i32 {
    %c0_i32 = arith.constant 0 : i32
    return %arg0 : i32
  }
}

</mosaic_0001>

<sc_bundles>
// kernel: kernel.6.cloned.1.call-start
scs
__scs_entry_jumppad:
0x0: {  	(pc) =	sbr.rel $0x88, $3  }
0x1: {  	(tag) =	ssettag $0x0;
	lr =	simm.s32 $0x1  }
0x2: {  	[smem:$0x3F91] =	sst lr;
	_ =	strace $0xD0000000  }
0x3: {  	_ = 	snop  }
0x4: {  	_ = 	snop  }
0x5: {  	_ = 	snop  }
0x6: {  	_ = 	snop  }
0x7: {  	_ = 	snop  }
__scs_overlays_trampoline_lowered:
0x8: {  	[smem:$0x3FA0] =	sst s0  }
0x9: {  	[smem:$0x3FA1] =	sst s1  }
0xa: {  	[smem:$0x3FA2] =	sst s2  }
0xb: {  	[smem:$0x3FA3] =	sst s3  }
0xc: {  	[smem:$0x3FA4] =	sst s4  }
0xd: {  	[smem:$0x3FA5] =	sst s5  }
0xe: {  	[smem:$0x3FA6] =	sst s6  }
0xf: {  	[smem:$0x3FA7] =	sst s7  }
0x10: {  	[smem:$0x3FA8] =	sst s8  }
0x11: {  	[smem:$0x3FA9] =	sst s9;
	s0 =	simm.s32 @!p0 $0x0  }
0x12: {  	s1 =	sld [smem:$0x3F8F];
	s0 =	simm.s32 @p0 $0x1  }
0x13: {  	[smem:$0x3FAA] =	sst s0;
	s0 =	simm.s32 @!p1 $0x0  }
0x14: {  	s2 =	sld [smem:$0x3F8E];
	s0 =	simm.s32 @p1 $0x1  }
0x15: {  	[smem:$0x3FAB] =	sst s0;
	s0 =	simm.s32 @!p2 $0x0  }
0x16: {  	s3 =	sld [smem:$0x3FDB];
	s0 =	simm.s32 @p2 $0x1  }
0x17: {  	s4 =	simm.s32 $0x1BF5;
	[smem:$0x3FAD] =	sst s0  }
0x18: {  	s0 =	sld [smem:$0x3F90];
	_ =	swait.ge [sflag:s4], $0x0  }
0x19: {  	s7 =	sld [smem:$0x3F91]  }
0x1a: {  	s8 =	sadd.s32 $0xFFFFE003, lr  }
0x1b: {  	s9 =	sadd.s32 $0xFFFFFEF7, lr;
	s5 =	simm.s32 $0xFFFFFFFF;
	p2 =	slt.u32 s8, $0xFFFFF086  }
0x1c: {  	p1 =	slt.u32 s9, $0xF7A;
	s5 =	simm.s32 @!p2 $0x0  }
0x1d: {  	s5 =	simm.s32 @p1 $0x1;
	p0 =	seq.s32 s7, s2  }
0x1e: {  	s7 =	smul.u32 @!p0 $0xF7A, s2;
	p2 =	seq.s32 @!p0 s5, $0x0  }
0x1f: {  	s9 =	smul.u32 $0xF7A, s1;
	s8 =	simm.s32 @!p0 $0x1BF5;
	p2 =	por !p2, p0  }
0x20: {  	[sflag:s8] =	ssyncset.s32 @!p0 $0xFFFFF086;
	s6 =	sadd.s32 @!p0 s3, s7;
	s7 =	simm.s32 @!p0 $0x108  }
0x21: {  	s3 =	sadd.s32 s3, s9;
	s6 =	sadd.s32 @!p0 $0x88, s6;
	s7 =	simm.s32 @p2 $0x1082  }
0x22: {  	[simem:s7], [sflag:s8] =	dma.local @!p0 [hbm:s6], $0xF7A  }
0x23: {  	s9 =	sor.u32 $0xD0000000, s2;
	s6 =	simm.s32 $0x108;
	_ =	swait.ge @!p0 [sflag:s8], $0x0  }
0x24: {  	s3 =	sadd.s32 $0x88, s3;
	s6 =	simm.s32 @!p1 $0x1082;
	[sflag:s4] =	ssyncset.s32 $0xFFFFF086  }
0x25: {  	[simem:s6], [sflag:s4] =	dma.local [hbm:s3], $0xF7A  }
0x26: {  	[smem:$0x3F91] =	sst s1;
	(tag) =	ssettag s2;
	_ =	strace s9  }
0x27: {  	s1 =	sld [smem:$0x3FA1]  }
0x28: {  	s2 =	sld [smem:$0x3FA2]  }
0x29: {  	s4 =	sld [smem:$0x3FA4]  }
0x2a: {  	p0 =	seq.s32 s5, $0x0;
	s5 =	sld [smem:$0x3FA5]  }
0x2b: {  	s6 =	sld [smem:$0x3FA6]  }
0x2c: {  	s7 =	sld [smem:$0x3FA7]  }
0x2d: {  	s3 =	simm.s32 $0x108;
	s8 =	sld [smem:$0x3FA8]  }
0x2e: {  	s3 =	simm.s32 @!p0 $0x1082;
	s9 =	sld [smem:$0x3FA9]  }
0x2f: {  	lr =	sadd.s32 s0, s3;
	s0 =	sld [smem:$0x3FA0]  }
0x30: {  	s3 =	sld [smem:$0x3FA3]  }
0x31: {  	[smem:$0x3FAC] =	sst s10  }
0x32: {  	s10 =	sld [smem:$0x3FAA];
	_ =	sdelay $0x3  }
0x33: {  	p0 =	seq.s32 s10, $0x1;
	s10 =	sld [smem:$0x3FAC];
	_ =	sdelay $0x3  }
0x34: {  	[smem:$0x3FAC] =	sst s10  }
0x35: {  	s10 =	sld [smem:$0x3FAB];
	_ =	sdelay $0x3  }
0x36: {  	p1 =	seq.s32 s10, $0x1;
	s10 =	sld [smem:$0x3FAC];
	_ =	sdelay $0x3  }
0x37: {  	[smem:$0x3FAC] =	sst s10  }
0x38: {  	s10 =	sld [smem:$0x3FAD]  }
0x39: {  	_ = 	snop;
	(pc) =	sbr.ind lr, $3  }
0x3a: {  	_ = 	snop  }
0x3b: {  	_ = 	snop  }
0x3c: {  	p2 =	seq.s32 s10, $0x1;
	s10 =	sld [smem:$0x3FAC]  }
0x3d: {  	_ =	shalt  }
0x3e: {  	_ =	shalt  }
0x3f: {  	_ =	shalt  }
0x40: {  	_ =	shalt  }
0x41: {  	_ =	shalt  }
0x42: {  	_ =	shalt  }
0x43: {  	_ =	shalt  }
0x44: {  	_ =	shalt  }
0x45: {  	_ =	shalt  }
0x46: {  	_ =	shalt  }
0x47: {  	_ =	shalt  }
0x48: {  	_ =	shalt  }
0x49: {  	_ =	shalt  }
0x4a: {  	_ =	shalt  }
0x4b: {  	_ =	shalt  }
0x4c: {  	_ =	shalt  }
0x4d: {  	_ =	shalt  }
0x4e: {  	_ =	shalt  }
0x4f: {  	_ =	shalt  }
0x50: {  	_ =	shalt  }
0x51: {  	_ =	shalt  }
0x52: {  	_ =	shalt  }
0x53: {  	_ =	shalt  }
0x54: {  	_ =	shalt  }
0x55: {  	_ =	shalt  }
0x56: {  	_ =	shalt  }
0x57: {  	_ =	shalt  }
0x58: {  	_ =	shalt  }
0x59: {  	_ =	shalt  }
0x5a: {  	_ =	shalt  }
0x5b: {  	_ =	shalt  }
0x5c: {  	_ =	shalt  }
0x5d: {  	_ =	shalt  }
0x5e: {  	_ =	shalt  }
0x5f: {  	_ =	shalt  }
0x60: {  	_ =	shalt  }
0x61: {  	_ =	shalt  }
0x62: {  	_ =	shalt  }
0x63: {  	_ =	shalt  }
0x64: {  	_ =	shalt  }
0x65: {  	_ =	shalt  }
0x66: {  	_ =	shalt  }
0x67: {  	_ =	shalt  }
0x68: {  	_ =	shalt  }
0x69: {  	_ =	shalt  }
0x6a: {  	_ =	shalt  }
0x6b: {  	_ =	shalt  }
0x6c: {  	_ =	shalt  }
0x6d: {  	_ =	shalt  }
0x6e: {  	_ =	shalt  }
0x6f: {  	_ =	shalt  }
0x70: {  	_ =	shalt  }
0x71: {  	_ =	shalt  }
0x72: {  	_ =	shalt  }
0x73: {  	_ =	shalt  }
0x74: {  	_ =	shalt  }
0x75: {  	_ =	shalt  }
0x76: {  	_ =	shalt  }
0x77: {  	_ =	shalt  }
0x78: {  	_ =	shalt  }
0x79: {  	_ =	shalt  }
0x7a: {  	_ =	shalt  }
0x7b: {  	_ =	shalt  }
0x7c: {  	_ =	shalt  }
0x7d: {  	_ =	shalt  }
0x7e: {  	_ =	shalt  }
0x7f: {  	_ =	shalt  }
0x80: {  	_ =	shalt  }
0x81: {  	_ =	shalt  }
0x82: {  	_ =	shalt  }
0x83: {  	_ =	shalt  }
0x84: {  	_ =	shalt  }
0x85: {  	_ =	shalt  }
0x86: {  	_ =	shalt  }
0x87: {  	_ =	shalt  }
.Lfunc_end0:
.L_simem_size_0:
called_computation_lowered:
.L_overlay_start_0:
0x88: {  	s2 =	sld [smem:$0x3FD9]  }
0x89: {  	s3 =	sld [smem:$0x3FFE];
	_ =	sdelay $0x1  }
0x8a: {  	s1 =	srdreg.scid  }
0x8b: {  	s0 =	sand.u32 $0x1, s1  }
0x8c: {  	s14 =	sshll.u32 s0, $0xA;
	s2 =	sadd.s32 s3, s2  }
0x8d: {  	s2 =	sadd.s32 s2, s14  }
0x8e: {  	[smem:$0x3FB8] =	sst s2  }
0x8f: {  	_ = 	snop  }
0x90: {  	s2 =	sld [smem:$0x3FD0];
	_ =	sdelay $0x1  }
0x91: {  	s15 =	sld [smem:$0x3FC7]  }
0x92: {  	s5 =	simm.s32 $0xB;
	s6 =	simm.s32 $0x10;
	s4 =	sld [smem:$0x3FC6]  }
0x93: {  	[smem:s6], [sflag:s5] =	dma.local [hbm:s2], $0x1  }
0x94: {  	_ =	swait.eq [sflag:s5], $0x1  }
0x95: {  	[sflag:s5] =	ssyncset.done $0x0  }
0x96: {  	[sflag:s5] =	ssyncadd.s32 $0xFFFFFFFF  }
0x97: {  	s16 =	sld [smem:$0x12];
	(tm) =	ssettm $0x1  }
0x98: {  	s17 =	sld [smem:$0x3FFB];
	_ =	sdelay $0x3  }
0x99: {  	_ =	strace s17  }
0x9a: {  	s5 =	sld [smem:$0x3FFC];
	_ =	sdelay $0x3  }
0x9b: {  	_ =	strace s5  }
0x9c: {  	s5 =	sld [smem:$0x3FFD];
	_ =	sdelay $0x3  }
0x9d: {  	_ =	strace s5  }
0x9e: {  	_ =	strace $0x8FFFFFFF  }
0x9f: {  	s18 =	sld [smem:$0x3FDB];
	_ =	sdelay $0x1  }
0xa0: {  	s19 =	simm.s32 $_scs_section_size  }
0xa1: {  	s7 =	simm.s32 $_size__tile_overlayer_lowered;
	s8 =	simm.s32 $_tile_overlayer_lowered  }
0xa2: {  	s22 =	simm.s32 $0x1BFF;
	s21 =	sshll.u32 s8, $0x1;
	s5 =	sadd.s32 s19, s18  }
0xa3: {  	s9 =	simm.s32 $0x0;
	s20 =	sshll.u32 s7, $0x1;
	s7 =	sadd.s32 s21, s5  }
0xa4: {  	[timem:s9], [sflag:s22] =	dma.local [hbm:s7], s20  }
0xa5: {  	_ =	swait.ge [sflag:s22], s20  }
0xa6: {  	s6 =	ssub.s32 $0x0, s20;
	[sflag:s22] =	ssyncset.done $0x0  }
0xa7: {  	[sflag:s22] =	ssyncadd.s32 s6;
	_ =	sdelay $0x1  }
0xa8: {  	s23 =	simm.s32 $0x1B8B  }
0xa9: {  	_ =	swait.ge [sflag:s23], $0x1  }
0xaa: {  	[sflag:s23] =	ssyncset.done $0x0  }
0xab: {  	s25 =	simm.s32 $0x1B8E;
	s24 =	sld [smem:$0x3FFE];
	[sflag:s23] =	ssyncadd.s32 $0xFFFFFFFF  }
0xac: {  	s26 =	simm.s32 $execute0_lowered;
	[smem:$0x3FD2] =	sst s25  }
0xad: {  	s7 =	sshll.u32 s26, $0x1;
	_ =	strace $0x80000046;
	[dreg:$0x1] =	wrdreg $0xFFFFFFFF  }
0xae: {  	s28 =	simm.s32 $_size_execute0_lowered;
	s5 =	sadd.s32 s5, s7;
	[dreg:$0x0] =	wrdreg $0x0  }
0xaf: {  	s7 =	sshll.u32 s28, $0x1;
	[dreg:$0x2] =	wrdreg s5  }
0xb0: {  	[dreg:$0x3] =	wrdreg s7  }
0xb1: {  	[dreg:$0x4] =	wrdreg $0xC0  }
0xb2: {  	_ =	task [dreg:s9], $0x5FFFF  }
0xb3: {  	[dreg:$0x1] =	wrdreg $0xFFFFFFFF  }
0xb4: {  	[dreg:$0x0] =	wrdreg $0x60  }
0xb5: {  	[dreg:$0x2] =	wrdreg s15  }
0xb6: {  	[dreg:$0x3] =	wrdreg s4  }
0xb7: {  	[dreg:$0x4] =	wrdreg s24  }
0xb8: {  	[dreg:$0x5] =	wrdreg s16  }
0xb9: {  	[dreg:$0x6] =	wrdreg $0x9  }
0xba: {  	_ =	task.clear_ibuf [dreg:s9], $0x7FFFF;
	_ =	strace $0x90000046  }
0xbb: {  	s29 =	simm.s32 $0x9;
	_ =	strace $0x80000048  }
0xbc: {  	_ =	swait.ge [sflag:s29], $0x1  }
0xbd: {  	[sflag:s29] =	ssyncadd.s32 $0xFFFFFFFF  }
0xbe: {  	_ =	strace $0x90000048  }
0xbf: {  	_ =	sfence  }
0xc0: {  	s30 =	sld [smem:$0x0];
	_ =	sdelay $0x2  }
0xc1: {  	s31 =	sshll.u32 s1, $0xD;
	s1 =	sshrl.u32 s1, $0x2  }
0xc2: {  	s3 =	sand.u32 $0x4000, s31;
	s1 =	sadd.s32 s1, s30  }
0xc3: {  	s0 =	sor.u32 s3, s0;
	s1 =	sshll.u32 s1, $0x11  }
0xc4: {  	s0 =	sor.u32 s1, s0  }
0xc5: {  	s0 =	sadd.s32 $0x8F2B, s0  }
0xc6: {  	[sflag:s0] =	ssyncadd.remote.s32 $0x1  }
0xc7: {  	_ =	sfence.sel $0xFFFF  }
0xc8: {  	[dreg:$0x0] =	wrdreg $0xFFFFFFFF;
	(pc) =	sbr.abs _section_cstart, $3  }
0xc9: {  	[dreg:$0x1] =	wrdreg $0xFFFFFFFF  }
0xca: {  	_ =	task.clear_ibuf [dreg:s9], $0x2FFFF;
	_ =	strace $0x9FFFFFFF  }
0xcb: {  	(tm) =	ssettm $0x7FFFFFFF  }
tec
execute0_lowered:
.L_overlay_start_1:
0x0: {  	(tag) =	ssettag $0x1  }
0x1: {  	s3 =	srdreg.scid  }
0x2: {  	s1 =	rddreg [dreg:$0x0];
	s0 =	stileid.u32;
	s25 =	sand.u32 $0x1, s3  }
0x3: {  	s2 =	rddreg [dreg:$0x1];
	s31 =	sshll.u32 s0, $0x9;
	s4 =	sshll.u32 s25, $0x8  }
0x4: {  	s17 =	rddreg [dreg:$0x2];
	s18 =	sor.u32 s4, s31  }
0x5: {  	s7 =	rddreg [dreg:$0x3];
	s4 =	simm.s32 $0x0;
	s8 =	sshrl.u32 s18, $0x3  }
0x6: {  	s6 =	simm.s32 $0x9;
	[smem:$0x7FF] =	sst s4;
	s5 =	sadd.s32 s8, s17  }
0x7: {  	s3 =	rddreg [dreg:$0x4];
	_ =	strace $0x80000047;
	s5 =	sadd.s32 $0x3000, s5  }
0x8: {  	[tilespmem:s4], [sflag:$0x9] =	stream.linear.gather [hbm4b:s5+s4], $0x100, $0x38;
	[tilespmem:$0x10200] =	vst v63  }
0x9: {  	_ =	swait.ge [sflag:s6], $0x100  }
0xa: {  	[sflag:s6] =	ssyncset.done $0x0  }
0xb: {  	s7 =	sadd.s32 s7, s8;
	s8 =	simm.s32 $0x100;
	[sflag:s6] =	ssyncadd.s32 $0xFFFFFF00  }
0xc: {  	[tilespmem:s8], [sflag:$0x9] =	stream.linear.gather [hbm4b:s7+s4], $0x100, $0x38;
	[tilespmem:$0x10200] =	vst v63  }
0xd: {  	_ =	swait.ge [sflag:s6], $0x100  }
0xe: {  	[sflag:s6] =	ssyncset.done $0x0  }
0xf: {  	s9 =	simm.s32 $0x80;
	s10 =	simm.s32 $0x200;
	[sflag:s6] =	ssyncadd.s32 $0xFFFFFF00  }
0x10: {  	[tilespmem:s10], [sflag:$0x1] =	stream.indirect.gather [hbm4b:s1+s9], $0x80, s4, s9, $0xb8;
	[tilespmem:$0x10200] =	vst v63  }
0x11: {  	s11 =	simm.s32 $0x8200  }
0x12: {  	[tilespmem:s11], [sflag:$0x3] =	stream.indirect.gather [hbm4b:s2+s9], $0x80, s8, s9, $0xb8;
	[tilespmem:$0x10200] =	vst v63  }
0x13: {  	s12 =	simm.s32 $0x4200  }
0x14: {  	[tilespmem:s12], [sflag:$0x2] =	stream.indirect.gather [hbm4b:s1+s9], $0x80, s9, s9, $0xb8;
	[tilespmem:$0x10200] =	vst v63  }
0x15: {  	s13 =	simm.s32 $0x180;
	s14 =	simm.s32 $0xC200;
	s15 =	simm.s32 $0x1  }
0x16: {  	[tilespmem:s14], [sflag:$0x4] =	stream.indirect.gather [hbm4b:s2+s9], $0x80, s13, s9, $0xb8;
	[tilespmem:$0x10200] =	vst v63  }
0x17: {  	_ =	swait.ge [sflag:s15], $0x4000  }
0x18: {  	[sflag:s15] =	ssyncset.done $0x0  }
0x19: {  	s16 =	simm.s32 $0x3;
	[sflag:s15] =	ssyncadd.s32 $0xFFFFC000  }
0x1a: {  	_ =	swait.ge [sflag:s16], $0x4000  }
0x1b: {  	s21 =	sadd.s32 $0x3400, s17;
	s22 =	sshll.u32 s18, $0x4;
	[sflag:s16] =	ssyncset.done $0x0  }
0x1c: {  	s23 =	sadd.s32 $0x23400, s17;
	s17 =	sadd.s32 s21, s22;
	[sflag:s16] =	ssyncadd.s32 $0xFFFFC000  }
0x1d: {  	[hbm4b:s17+s4] =	stream.linear.scatter [tilespmem:s10], [sflag:$0x5], $0x4000, $0x38;
	[tilespmem:$0x10200] =	vst v63  }
0x1e: {  	s19 =	simm.s32 $0x2;
	s18 =	sadd.s32 s23, s22  }
0x1f: {  	[hbm4b:s18+s4] =	stream.linear.scatter [tilespmem:s11], [sflag:$0x7], $0x4000, $0x38;
	[tilespmem:$0x10200] =	vst v63  }
0x20: {  	_ =	swait.ge [sflag:s19], $0x4000  }
0x21: {  	[sflag:s19] =	ssyncset.done $0x0  }
0x22: {  	s20 =	simm.s32 $0x4;
	[sflag:s19] =	ssyncadd.s32 $0xFFFFC000  }
0x23: {  	_ =	swait.ge [sflag:s20], $0x4000  }
0x24: {  	s22 =	sor.u32 $0x800, s22;
	[sflag:s20] =	ssyncset.done $0x0  }
0x25: {  	s21 =	sadd.s32 s21, s22;
	[sflag:s20] =	ssyncadd.s32 $0xFFFFC000  }
0x26: {  	[hbm4b:s21+s4] =	stream.linear.scatter [tilespmem:s12], [sflag:$0x6], $0x4000, $0x38;
	[tilespmem:$0x10200] =	vst v63  }
0x27: {  	s22 =	sadd.s32 s23, s22;
	s23 =	simm.s32 $0x5  }
0x28: {  	[hbm4b:s22+s4] =	stream.linear.scatter [tilespmem:s14], [sflag:$0x8], $0x4000, $0x38;
	[tilespmem:$0x10200] =	vst v63  }
0x29: {  	_ =	swait.ge [sflag:s23], $0x4000  }
0x2a: {  	s26 =	ssub.s32 $0x2, s25;
	[sflag:s23] =	ssyncset.done $0x0  }
0x2b: {  	s24 =	simm.s32 $0x7;
	s28 =	sshrl.u32 s26, $0x1;
	[sflag:s23] =	ssyncadd.s32 $0xFFFFC000  }
0x2c: {  	s26 =	ssub.s32 s26, s28;
	_ =	swait.ge [sflag:s24], $0x4000  }
0x2d: {  	s28 =	smax.u32 s26, $0x1;
	[sflag:s24] =	ssyncset.done $0x0  }
0x2e: {  	s25 =	simm.s32 $0x6;
	p0 =	sne.s32 s28, $0x1;
	[sflag:s24] =	ssyncadd.s32 $0xFFFFC000  }
.Ltmp0:
0x2f: {  	_ =	swait.ge [sflag:s25], $0x4000;
	(pc) =	sbr.rel @!p0 .LBB2_2-.Ltmp0, $4  }
0x30: {  	[sflag:s25] =	ssyncset.done $0x0  }
0x31: {  	s26 =	simm.s32 $0x8;
	[sflag:s25] =	ssyncadd.s32 $0xFFFFC000  }
0x32: {  	_ =	swait.ge [sflag:s26], $0x4000  }
0x33: {  	s28 =	sadd.s32 $0xFFFFFFFF, s28;
	[sflag:s26] =	ssyncset.done $0x0  }
.LBB2_1:
0x34: {  	p0 =	sne.s32 s28, $0x1;
	s28 =	sadd.s32 $0xFFFFFFFF, s28;
	[sflag:s26] =	ssyncadd.s32 $0xFFFFC000  }
0x35: {  	[tilespmem:s4], [sflag:$0x9] =	stream.linear.gather [hbm4b:s5+s4], $0x100, $0x38;
	[tilespmem:$0x10200] =	vst v63  }
0x36: {  	_ =	swait.ge [sflag:s6], $0x100  }
0x37: {  	[sflag:s6] =	ssyncset.done $0x0  }
0x38: {  	[sflag:s6] =	ssyncadd.s32 $0xFFFFFF00  }
0x39: {  	[tilespmem:s8], [sflag:$0x9] =	stream.linear.gather [hbm4b:s7+s4], $0x100, $0x38;
	[tilespmem:$0x10200] =	vst v63  }
0x3a: {  	_ =	swait.ge [sflag:s6], $0x100  }
0x3b: {  	[sflag:s6] =	ssyncset.done $0x0  }
0x3c: {  	[sflag:s6] =	ssyncadd.s32 $0xFFFFFF00  }
0x3d: {  	[tilespmem:s10], [sflag:$0x1] =	stream.indirect.gather [hbm4b:s1+s9], $0x80, s4, s9, $0xb8;
	[tilespmem:$0x10200] =	vst v63  }
0x3e: {  	_ = 	snop  }
0x3f: {  	[tilespmem:s11], [sflag:$0x3] =	stream.indirect.gather [hbm4b:s2+s9], $0x80, s8, s9, $0xb8;
	[tilespmem:$0x10200] =	vst v63  }
0x40: {  	_ = 	snop  }
0x41: {  	[tilespmem:s12], [sflag:$0x2] =	stream.indirect.gather [hbm4b:s1+s9], $0x80, s9, s9, $0xb8;
	[tilespmem:$0x10200] =	vst v63  }
0x42: {  	_ = 	snop  }
0x43: {  	[tilespmem:s14], [sflag:$0x4] =	stream.indirect.gather [hbm4b:s2+s9], $0x80, s13, s9, $0xb8;
	[tilespmem:$0x10200] =	vst v63  }
0x44: {  	_ =	swait.ge [sflag:s15], $0x4000  }
0x45: {  	[sflag:s15] =	ssyncset.done $0x0  }
0x46: {  	[sflag:s15] =	ssyncadd.s32 $0xFFFFC000  }
0x47: {  	_ =	swait.ge [sflag:s16], $0x4000  }
0x48: {  	[sflag:s16] =	ssyncset.done $0x0  }
0x49: {  	[sflag:s16] =	ssyncadd.s32 $0xFFFFC000  }
0x4a: {  	[hbm4b:s17+s4] =	stream.linear.scatter [tilespmem:s10], [sflag:$0x5], $0x4000, $0x38;
	[tilespmem:$0x10200] =	vst v63  }
0x4b: {  	_ = 	snop  }
0x4c: {  	[hbm4b:s18+s4] =	stream.linear.scatter [tilespmem:s11], [sflag:$0x7], $0x4000, $0x38;
	[tilespmem:$0x10200] =	vst v63  }
0x4d: {  	_ =	swait.ge [sflag:s19], $0x4000  }
0x4e: {  	[sflag:s19] =	ssyncset.done $0x0  }
0x4f: {  	[sflag:s19] =	ssyncadd.s32 $0xFFFFC000  }
0x50: {  	_ =	swait.ge [sflag:s20], $0x4000  }
0x51: {  	[sflag:s20] =	ssyncset.done $0x0  }
0x52: {  	[sflag:s20] =	ssyncadd.s32 $0xFFFFC000  }
0x53: {  	[hbm4b:s21+s4] =	stream.linear.scatter [tilespmem:s12], [sflag:$0x6], $0x4000, $0x38;
	[tilespmem:$0x10200] =	vst v63  }
0x54: {  	_ = 	snop  }
0x55: {  	[hbm4b:s22+s4] =	stream.linear.scatter [tilespmem:s14], [sflag:$0x8], $0x4000, $0x38;
	[tilespmem:$0x10200] =	vst v63  }
0x56: {  	_ =	swait.ge [sflag:s23], $0x4000  }
0x57: {  	[sflag:s23] =	ssyncset.done $0x0  }
0x58: {  	[sflag:s23] =	ssyncadd.s32 $0xFFFFC000  }
0x59: {  	_ =	swait.ge [sflag:s24], $0x4000  }
0x5a: {  	[sflag:s24] =	ssyncset.done $0x0  }
0x5b: {  	[sflag:s24] =	ssyncadd.s32 $0xFFFFC000  }
.Ltmp1:
0x5c: {  	_ =	swait.ge [sflag:s25], $0x4000;
	(pc) =	sbr.rel @p0 .LBB2_1-.Ltmp1, $4  }
0x5d: {  	[sflag:s25] =	ssyncset.done $0x0  }
0x5e: {  	[sflag:s25] =	ssyncadd.s32 $0xFFFFC000  }
0x5f: {  	_ =	swait.ge [sflag:s26], $0x4000  }
0x60: {  	[sflag:s26] =	ssyncset.done $0x0  }
.LBB2_2:
0x61: {  	[sflag:s26] =	ssyncadd.s32 $0xFFFFC000  }
0x62: {  	_ =	sfence.sel $0x180000  }
0x63: {  	[bflag:$0x0] =	sbarrier.arrive $0xFFFF  }
0x64: {  	p0 =	sne.s32 s0, $0x0;
	_ =	strace $0x90000047  }
0x65: {  	s0 =	sadd.s32 @!p0 $0x100000, s3;
	[bflag:$0x2] =	sbarrier.arrive $0xFFFF  }
0x66: {  	[sflag:s0] =	ssyncadd.tile.s32 @!p0 $0x1;
	_ =	shalt  }
.Lfunc_end2:
_tile_overlayer_lowered:
.L_overlay_start_2:
0x67: {  	(tag) =	ssettag $0x2  }
0x68: {  	s0 =	rddreg [dreg:$0x0];
	s2 =	stileid.u32  }
0x69: {  	s1 =	rddreg [dreg:$0x1];
	p0 =	sne.s32 s2, $0x0  }
0x6a: {  	s3 =	rddreg [dreg:$0x2];
	[bflag:$0x3] =	sbarrier.arrive $0xFFFF;
	s2 =	simm.s32 @!p0 $0x1C09  }
0x6b: {  	[timem:s3], [sflag:s2] =	dma.local @!p0 [hbm:s0], s1  }
0x6c: {  	s0 =	simm.s32 @!p0 $0x9  }
0x6d: {  	_ =	swait.ge @!p0 [sflag:s0], s1  }
0x6e: {  	s1 =	ssub.s32 @!p0 $0x0, s1;
	[sflag:s0] =	ssyncset.done @!p0 $0x0  }
0x6f: {  	[sflag:s0] =	ssyncadd.s32 @!p0 s1  }
0x70: {  	[bflag:$0x3] =	sbarrier.arrive $0xFFFF  }
0x71: {  	_ =	shalt  }

// kernel: kernel.9.cloned.1.call-start
scs
__scs_entry_jumppad:
0x0: {  	(pc) =	sbr.rel $0x88, $3  }
0x1: {  	(tag) =	ssettag $0x0;
	lr =	simm.s32 $0x1  }
0x2: {  	[smem:$0x3F91] =	sst lr;
	_ =	strace $0xD0000000  }
0x3: {  	_ = 	snop  }
0x4: {  	_ = 	snop  }
0x5: {  	_ = 	snop  }
0x6: {  	_ = 	snop  }
0x7: {  	_ = 	snop  }
__scs_overlays_trampoline_lowered:
0x8: {  	[smem:$0x3FA0] =	sst s0  }
0x9: {  	[smem:$0x3FA1] =	sst s1  }
0xa: {  	[smem:$0x3FA2] =	sst s2  }
0xb: {  	[smem:$0x3FA3] =	sst s3  }
0xc: {  	[smem:$0x3FA4] =	sst s4  }
0xd: {  	[smem:$0x3FA5] =	sst s5  }
0xe: {  	[smem:$0x3FA6] =	sst s6  }
0xf: {  	[smem:$0x3FA7] =	sst s7  }
0x10: {  	[smem:$0x3FA8] =	sst s8  }
0x11: {  	[smem:$0x3FA9] =	sst s9;
	s0 =	simm.s32 @!p0 $0x0  }
0x12: {  	s1 =	sld [smem:$0x3F8F];
	s0 =	simm.s32 @p0 $0x1  }
0x13: {  	[smem:$0x3FAA] =	sst s0;
	s0 =	simm.s32 @!p1 $0x0  }
0x14: {  	s2 =	sld [smem:$0x3F8E];
	s0 =	simm.s32 @p1 $0x1  }
0x15: {  	[smem:$0x3FAB] =	sst s0;
	s0 =	simm.s32 @!p2 $0x0  }
0x16: {  	s3 =	sld [smem:$0x3FDB];
	s0 =	simm.s32 @p2 $0x1  }
0x17: {  	s4 =	simm.s32 $0x1BF5;
	[smem:$0x3FAD] =	sst s0  }
0x18: {  	s0 =	sld [smem:$0x3F90];
	_ =	swait.ge [sflag:s4], $0x0  }
0x19: {  	s7 =	sld [smem:$0x3F91]  }
0x1a: {  	s8 =	sadd.s32 $0xFFFFE003, lr  }
0x1b: {  	s9 =	sadd.s32 $0xFFFFFEF7, lr;
	s5 =	simm.s32 $0xFFFFFFFF;
	p2 =	slt.u32 s8, $0xFFFFF086  }
0x1c: {  	p1 =	slt.u32 s9, $0xF7A;
	s5 =	simm.s32 @!p2 $0x0  }
0x1d: {  	s5 =	simm.s32 @p1 $0x1;
	p0 =	seq.s32 s7, s2  }
0x1e: {  	s7 =	smul.u32 @!p0 $0xF7A, s2;
	p2 =	seq.s32 @!p0 s5, $0x0  }
0x1f: {  	s9 =	smul.u32 $0xF7A, s1;
	s8 =	simm.s32 @!p0 $0x1BF5;
	p2 =	por !p2, p0  }
0x20: {  	[sflag:s8] =	ssyncset.s32 @!p0 $0xFFFFF086;
	s6 =	sadd.s32 @!p0 s3, s7;
	s7 =	simm.s32 @!p0 $0x108  }
0x21: {  	s3 =	sadd.s32 s3, s9;
	s6 =	sadd.s32 @!p0 $0x88, s6;
	s7 =	simm.s32 @p2 $0x1082  }
0x22: {  	[simem:s7], [sflag:s8] =	dma.local @!p0 [hbm:s6], $0xF7A  }
0x23: {  	s9 =	sor.u32 $0xD0000000, s2;
	s6 =	simm.s32 $0x108;
	_ =	swait.ge @!p0 [sflag:s8], $0x0  }
0x24: {  	s3 =	sadd.s32 $0x88, s3;
	s6 =	simm.s32 @!p1 $0x1082;
	[sflag:s4] =	ssyncset.s32 $0xFFFFF086  }
0x25: {  	[simem:s6], [sflag:s4] =	dma.local [hbm:s3], $0xF7A  }
0x26: {  	[smem:$0x3F91] =	sst s1;
	(tag) =	ssettag s2;
	_ =	strace s9  }
0x27: {  	s1 =	sld [smem:$0x3FA1]  }
0x28: {  	s2 =	sld [smem:$0x3FA2]  }
0x29: {  	s4 =	sld [smem:$0x3FA4]  }
0x2a: {  	p0 =	seq.s32 s5, $0x0;
	s5 =	sld [smem:$0x3FA5]  }
0x2b: {  	s6 =	sld [smem:$0x3FA6]  }
0x2c: {  	s7 =	sld [smem:$0x3FA7]  }
0x2d: {  	s3 =	simm.s32 $0x108;
	s8 =	sld [smem:$0x3FA8]  }
0x2e: {  	s3 =	simm.s32 @!p0 $0x1082;
	s9 =	sld [smem:$0x3FA9]  }
0x2f: {  	lr =	sadd.s32 s0, s3;
	s0 =	sld [smem:$0x3FA0]  }
0x30: {  	s3 =	sld [smem:$0x3FA3]  }
0x31: {  	[smem:$0x3FAC] =	sst s10  }
0x32: {  	s10 =	sld [smem:$0x3FAA];
	_ =	sdelay $0x3  }
0x33: {  	p0 =	seq.s32 s10, $0x1;
	s10 =	sld [smem:$0x3FAC];
	_ =	sdelay $0x3  }
0x34: {  	[smem:$0x3FAC] =	sst s10  }
0x35: {  	s10 =	sld [smem:$0x3FAB];
	_ =	sdelay $0x3  }
0x36: {  	p1 =	seq.s32 s10, $0x1;
	s10 =	sld [smem:$0x3FAC];
	_ =	sdelay $0x3  }
0x37: {  	[smem:$0x3FAC] =	sst s10  }
0x38: {  	s10 =	sld [smem:$0x3FAD]  }
0x39: {  	_ = 	snop;
	(pc) =	sbr.ind lr, $3  }
0x3a: {  	_ = 	snop  }
0x3b: {  	_ = 	snop  }
0x3c: {  	p2 =	seq.s32 s10, $0x1;
	s10 =	sld [smem:$0x3FAC]  }
0x3d: {  	_ =	shalt  }
0x3e: {  	_ =	shalt  }
0x3f: {  	_ =	shalt  }
0x40: {  	_ =	shalt  }
0x41: {  	_ =	shalt  }
0x42: {  	_ =	shalt  }
0x43: {  	_ =	shalt  }
0x44: {  	_ =	shalt  }
0x45: {  	_ =	shalt  }
0x46: {  	_ =	shalt  }
0x47: {  	_ =	shalt  }
0x48: {  	_ =	shalt  }
0x49: {  	_ =	shalt  }
0x4a: {  	_ =	shalt  }
0x4b: {  	_ =	shalt  }
0x4c: {  	_ =	shalt  }
0x4d: {  	_ =	shalt  }
0x4e: {  	_ =	shalt  }
0x4f: {  	_ =	shalt  }
0x50: {  	_ =	shalt  }
0x51: {  	_ =	shalt  }
0x52: {  	_ =	shalt  }
0x53: {  	_ =	shalt  }
0x54: {  	_ =	shalt  }
0x55: {  	_ =	shalt  }
0x56: {  	_ =	shalt  }
0x57: {  	_ =	shalt  }
0x58: {  	_ =	shalt  }
0x59: {  	_ =	shalt  }
0x5a: {  	_ =	shalt  }
0x5b: {  	_ =	shalt  }
0x5c: {  	_ =	shalt  }
0x5d: {  	_ =	shalt  }
0x5e: {  	_ =	shalt  }
0x5f: {  	_ =	shalt  }
0x60: {  	_ =	shalt  }
0x61: {  	_ =	shalt  }
0x62: {  	_ =	shalt  }
0x63: {  	_ =	shalt  }
0x64: {  	_ =	shalt  }
0x65: {  	_ =	shalt  }
0x66: {  	_ =	shalt  }
0x67: {  	_ =	shalt  }
0x68: {  	_ =	shalt  }
0x69: {  	_ =	shalt  }
0x6a: {  	_ =	shalt  }
0x6b: {  	_ =	shalt  }
0x6c: {  	_ =	shalt  }
0x6d: {  	_ =	shalt  }
0x6e: {  	_ =	shalt  }
0x6f: {  	_ =	shalt  }
0x70: {  	_ =	shalt  }
0x71: {  	_ =	shalt  }
0x72: {  	_ =	shalt  }
0x73: {  	_ =	shalt  }
0x74: {  	_ =	shalt  }
0x75: {  	_ =	shalt  }
0x76: {  	_ =	shalt  }
0x77: {  	_ =	shalt  }
0x78: {  	_ =	shalt  }
0x79: {  	_ =	shalt  }
0x7a: {  	_ =	shalt  }
0x7b: {  	_ =	shalt  }
0x7c: {  	_ =	shalt  }
0x7d: {  	_ =	shalt  }
0x7e: {  	_ =	shalt  }
0x7f: {  	_ =	shalt  }
0x80: {  	_ =	shalt  }
0x81: {  	_ =	shalt  }
0x82: {  	_ =	shalt  }
0x83: {  	_ =	shalt  }
0x84: {  	_ =	shalt  }
0x85: {  	_ =	shalt  }
0x86: {  	_ =	shalt  }
0x87: {  	_ =	shalt  }
.Lfunc_end0:
.L_simem_size_0:
called_computation.1_lowered:
.L_overlay_start_0:
0x88: {  	s2 =	sld [smem:$0x3FD9]  }
0x89: {  	s3 =	sld [smem:$0x3FFE];
	_ =	sdelay $0x1  }
0x8a: {  	s1 =	srdreg.scid  }
0x8b: {  	s0 =	sand.u32 $0x1, s1  }
0x8c: {  	s15 =	sshll.u32 s0, $0xA;
	s2 =	sadd.s32 s3, s2  }
0x8d: {  	s2 =	sadd.s32 s2, s15  }
0x8e: {  	[smem:$0x3FB8] =	sst s2  }
0x8f: {  	_ = 	snop  }
0x90: {  	s4 =	sld [smem:$0x3FD0];
	_ =	sdelay $0x1  }
0x91: {  	s2 =	sld [smem:$0x3FC7]  }
0x92: {  	s6 =	simm.s32 $0xB;
	s5 =	simm.s32 $0x10;
	s16 =	sld [smem:$0x3FC6]  }
0x93: {  	[smem:s5], [sflag:s6] =	dma.local [hbm:s4], $0x1  }
0x94: {  	_ =	swait.eq [sflag:s6], $0x1  }
0x95: {  	[sflag:s6] =	ssyncset.done $0x0  }
0x96: {  	s17 =	sld [smem:$0x10];
	[sflag:s6] =	ssyncadd.s32 $0xFFFFFFFF  }
0x97: {  	s18 =	sld [smem:$0x11];
	(tm) =	ssettm $0x1  }
0x98: {  	s19 =	sld [smem:$0x3FFB];
	_ =	sdelay $0x3  }
0x99: {  	_ =	strace s19  }
0x9a: {  	s4 =	sld [smem:$0x3FFC];
	_ =	sdelay $0x3  }
0x9b: {  	_ =	strace s4  }
0x9c: {  	s4 =	sld [smem:$0x3FFD];
	_ =	sdelay $0x3  }
0x9d: {  	_ =	strace s4  }
0x9e: {  	_ =	strace $0x8FFFFFFF  }
0x9f: {  	s20 =	sld [smem:$0x3FDB];
	_ =	sdelay $0x1  }
0xa0: {  	s7 =	simm.s32 $_scs_section_size  }
0xa1: {  	s8 =	simm.s32 $_size__tile_overlayer_lowered;
	s9 =	simm.s32 $_tile_overlayer_lowered  }
0xa2: {  	s10 =	simm.s32 $0x1BFF;
	s21 =	sshll.u32 s9, $0x1;
	s7 =	sadd.s32 s7, s20  }
0xa3: {  	s22 =	simm.s32 $0x0;
	s8 =	sshll.u32 s8, $0x1;
	s9 =	sadd.s32 s21, s7  }
0xa4: {  	[timem:s22], [sflag:s10] =	dma.local [hbm:s9], s8  }
0xa5: {  	_ =	swait.ge [sflag:s10], s8  }
0xa6: {  	s8 =	ssub.s32 $0x0, s8;
	[sflag:s10] =	ssyncset.done $0x0  }
0xa7: {  	[sflag:s10] =	ssyncadd.s32 s8;
	_ =	sdelay $0x1  }
0xa8: {  	s23 =	simm.s32 $0x1B8B  }
0xa9: {  	_ =	swait.ge [sflag:s23], $0x1  }
0xaa: {  	[sflag:s23] =	ssyncset.done $0x0  }
0xab: {  	[sflag:s23] =	ssyncadd.s32 $0xFFFFFFFF  }
0xac: {  	s8 =	sld [smem:$0x0]  }
0xad: {  	s9 =	sand.u32 $0xFFFFFFFE, s1  }
0xae: {  	p0 =	sne.s32 s1, s9  }
0xaf: {  	s9 =	sshll.u32 @p0 s9, $0xE  }
0xb0: {  	s9 =	sadd.s32 @p0 $0x11B8D, s9;
	s10 =	sshll.u32 @p0 s8, $0x11  }
0xb1: {  	s9 =	sor.u32 @p0 s10, s9  }
0xb2: {  	[sflag:s9] =	ssyncadd.remote.s32 @p0 $0x1;
	_ =	sdelay $0x1  }
0xb3: {  	s9 =	simm.s32 @p0 $0x1B8D  }
0xb4: {  	_ =	swait.eq @p0 [sflag:s9], $0x1  }
0xb5: {  	[sflag:s9] =	ssyncadd.s32 @p0 $0xFFFFFFFF  }
0xb6: {  	s10 =	sshll.u32 @!p0 s1, $0xE  }
0xb7: {  	s10 =	sor.u32 @!p0 $0x4000, s10;
	s9 =	simm.s32 @!p0 $0x1B8D  }
0xb8: {  	s8 =	sshll.u32 @!p0 s8, $0x11;
	s10 =	sadd.s32 @!p0 $0x11B8D, s10;
	_ =	swait.eq @!p0 [sflag:s9], $0x1  }
0xb9: {  	s8 =	sor.u32 @!p0 s8, s10;
	[sflag:s9] =	ssyncadd.s32 @!p0 $0xFFFFFFFF  }
0xba: {  	s25 =	simm.s32 $0x1B8E;
	s24 =	sld [smem:$0x3FFE];
	[sflag:s8] =	ssyncadd.remote.s32 @!p0 $0x1  }
0xbb: {  	s26 =	simm.s32 $execute0_lowered;
	[smem:$0x3FD2] =	sst s25  }
0xbc: {  	s9 =	sshll.u32 s26, $0x1;
	_ =	strace $0x80000049;
	[dreg:$0x1] =	wrdreg $0xFFFFFFFF  }
0xbd: {  	s28 =	simm.s32 $_size_execute0_lowered;
	s7 =	sadd.s32 s7, s9;
	[dreg:$0x0] =	wrdreg $0x0  }
0xbe: {  	s9 =	sshll.u32 s28, $0x1;
	[dreg:$0x2] =	wrdreg s7  }
0xbf: {  	[dreg:$0x3] =	wrdreg s9  }
0xc0: {  	[dreg:$0x4] =	wrdreg $0xC0  }
0xc1: {  	_ =	task [dreg:s22], $0x5FFFF  }
0xc2: {  	[dreg:$0x1] =	wrdreg $0xFFFFFFFF  }
0xc3: {  	[dreg:$0x0] =	wrdreg $0x60  }
0xc4: {  	[dreg:$0x2] =	wrdreg s2  }
0xc5: {  	[dreg:$0x3] =	wrdreg s16  }
0xc6: {  	[dreg:$0x4] =	wrdreg s17  }
0xc7: {  	[dreg:$0x5] =	wrdreg s18  }
0xc8: {  	[dreg:$0x6] =	wrdreg s24  }
0xc9: {  	[dreg:$0x7] =	wrdreg $0xA  }
0xca: {  	_ =	task.clear_ibuf [dreg:s22], $0x8FFFF;
	_ =	strace $0x90000049  }
0xcb: {  	s29 =	simm.s32 $0xA;
	_ =	strace $0x8000004B  }
0xcc: {  	_ =	swait.ge [sflag:s29], $0x1  }
0xcd: {  	[sflag:s29] =	ssyncadd.s32 $0xFFFFFFFF  }
0xce: {  	_ =	strace $0x9000004B  }
0xcf: {  	_ =	sfence  }
0xd0: {  	s30 =	sld [smem:$0x0];
	_ =	sdelay $0x2  }
0xd1: {  	s31 =	sshll.u32 s1, $0xD;
	s1 =	sshrl.u32 s1, $0x2  }
0xd2: {  	s3 =	sand.u32 $0x4000, s31;
	s1 =	sadd.s32 s1, s30  }
0xd3: {  	s0 =	sor.u32 s3, s0;
	s1 =	sshll.u32 s1, $0x11  }
0xd4: {  	s0 =	sor.u32 s1, s0  }
0xd5: {  	s0 =	sadd.s32 $0x8F2B, s0  }
0xd6: {  	[sflag:s0] =	ssyncadd.remote.s32 $0x1  }
0xd7: {  	_ =	sfence.sel $0xFFFF  }
0xd8: {  	[dreg:$0x0] =	wrdreg $0xFFFFFFFF;
	(pc) =	sbr.abs _section_cstart, $3  }
0xd9: {  	[dreg:$0x1] =	wrdreg $0xFFFFFFFF  }
0xda: {  	_ =	task.clear_ibuf [dreg:s22], $0x2FFFF;
	_ =	strace $0x9FFFFFFF  }
0xdb: {  	(tm) =	ssettm $0x7FFFFFFF  }
tec
execute0_lowered:
.L_overlay_start_1:
0x0: {  	(tag) =	ssettag $0x1  }
0x1: {  	s1 =	rddreg [dreg:$0x0]  }
0x2: {  	s2 =	rddreg [dreg:$0x1]  }
0x3: {  	s5 =	rddreg [dreg:$0x2];
	s3 =	srdreg.scid  }
0x4: {  	s7 =	rddreg [dreg:$0x3];
	s0 =	stileid.u32;
	s25 =	sand.u32 $0x1, s3  }
0x5: {  	s17 =	rddreg [dreg:$0x4];
	s6 =	sshll.u32 s0, $0x9;
	s8 =	sshll.u32 s25, $0x8  }
0x6: {  	s4 =	simm.s32 $0x0;
	s3 =	rddreg [dreg:$0x5];
	s18 =	sor.u32 s8, s6  }
0x7: {  	[smem:$0x7FF] =	sst s4;
	s8 =	sshrl.u32 s18, $0x3  }
0x8: {  	_ =	strace $0x8000004A;
	s6 =	simm.s32 $0x9;
	s5 =	sadd.s32 s5, s8  }
0x9: {  	[tilespmem:s4], [sflag:$0x9] =	stream.linear.gather [hbm4b:s5+s4], $0x100, $0x38;
	[tilespmem:$0x10200] =	vst v63  }
0xa: {  	_ =	swait.ge [sflag:s6], $0x100  }
0xb: {  	[sflag:s6] =	ssyncset.done $0x0  }
0xc: {  	s7 =	sadd.s32 s7, s8;
	s8 =	simm.s32 $0x100;
	[sflag:s6] =	ssyncadd.s32 $0xFFFFFF00  }
0xd: {  	[tilespmem:s8], [sflag:$0x9] =	stream.linear.gather [hbm4b:s7+s4], $0x100, $0x38;
	[tilespmem:$0x10200] =	vst v63  }
0xe: {  	_ =	swait.ge [sflag:s6], $0x100  }
0xf: {  	[sflag:s6] =	ssyncset.done $0x0  }
0x10: {  	s9 =	simm.s32 $0x80;
	s10 =	simm.s32 $0x200;
	[sflag:s6] =	ssyncadd.s32 $0xFFFFFF00  }
0x11: {  	[tilespmem:s10], [sflag:$0x1] =	stream.indirect.gather [hbm4b:s1+s9], $0x80, s4, s9, $0xb8;
	[tilespmem:$0x10200] =	vst v63  }
0x12: {  	s11 =	simm.s32 $0x8200  }
0x13: {  	[tilespmem:s11], [sflag:$0x3] =	stream.indirect.gather [hbm4b:s2+s9], $0x80, s8, s9, $0xb8;
	[tilespmem:$0x10200] =	vst v63  }
0x14: {  	s12 =	simm.s32 $0x4200  }
0x15: {  	[tilespmem:s12], [sflag:$0x2] =	stream.indirect.gather [hbm4b:s1+s9], $0x80, s9, s9, $0xb8;
	[tilespmem:$0x10200] =	vst v63  }
0x16: {  	s13 =	simm.s32 $0x180;
	s14 =	simm.s32 $0xC200;
	s15 =	simm.s32 $0x1  }
0x17: {  	[tilespmem:s14], [sflag:$0x4] =	stream.indirect.gather [hbm4b:s2+s9], $0x80, s13, s9, $0xb8;
	[tilespmem:$0x10200] =	vst v63  }
0x18: {  	_ =	swait.ge [sflag:s15], $0x4000  }
0x19: {  	[sflag:s15] =	ssyncset.done $0x0  }
0x1a: {  	s16 =	simm.s32 $0x3;
	[sflag:s15] =	ssyncadd.s32 $0xFFFFC000  }
0x1b: {  	_ =	swait.ge [sflag:s16], $0x4000  }
0x1c: {  	s21 =	sadd.s32 $0x43400, s17;
	s22 =	sshll.u32 s18, $0x4;
	[sflag:s16] =	ssyncset.done $0x0  }
0x1d: {  	s23 =	sadd.s32 $0x63400, s17;
	s17 =	sadd.s32 s21, s22;
	[sflag:s16] =	ssyncadd.s32 $0xFFFFC000  }
0x1e: {  	[hbm4b:s17+s4] =	stream.linear.scatter [tilespmem:s10], [sflag:$0x5], $0x4000, $0x38;
	[tilespmem:$0x10200] =	vst v63  }
0x1f: {  	s19 =	simm.s32 $0x2;
	s18 =	sadd.s32 s23, s22  }
0x20: {  	[hbm4b:s18+s4] =	stream.linear.scatter [tilespmem:s11], [sflag:$0x7], $0x4000, $0x38;
	[tilespmem:$0x10200] =	vst v63  }
0x21: {  	_ =	swait.ge [sflag:s19], $0x4000  }
0x22: {  	[sflag:s19] =	ssyncset.done $0x0  }
0x23: {  	s20 =	simm.s32 $0x4;
	[sflag:s19] =	ssyncadd.s32 $0xFFFFC000  }
0x24: {  	_ =	swait.ge [sflag:s20], $0x4000  }
0x25: {  	s22 =	sor.u32 $0x800, s22;
	[sflag:s20] =	ssyncset.done $0x0  }
0x26: {  	s21 =	sadd.s32 s21, s22;
	[sflag:s20] =	ssyncadd.s32 $0xFFFFC000  }
0x27: {  	[hbm4b:s21+s4] =	stream.linear.scatter [tilespmem:s12], [sflag:$0x6], $0x4000, $0x38;
	[tilespmem:$0x10200] =	vst v63  }
0x28: {  	s22 =	sadd.s32 s23, s22;
	s23 =	simm.s32 $0x5  }
0x29: {  	[hbm4b:s22+s4] =	stream.linear.scatter [tilespmem:s14], [sflag:$0x8], $0x4000, $0x38;
	[tilespmem:$0x10200] =	vst v63  }
0x2a: {  	_ =	swait.ge [sflag:s23], $0x4000  }
0x2b: {  	s26 =	ssub.s32 $0x2, s25;
	[sflag:s23] =	ssyncset.done $0x0  }
0x2c: {  	s24 =	simm.s32 $0x7;
	s28 =	sshrl.u32 s26, $0x1;
	[sflag:s23] =	ssyncadd.s32 $0xFFFFC000  }
0x2d: {  	s26 =	ssub.s32 s26, s28;
	_ =	swait.ge [sflag:s24], $0x4000  }
0x2e: {  	s28 =	smax.u32 s26, $0x1;
	[sflag:s24] =	ssyncset.done $0x0  }
0x2f: {  	s25 =	simm.s32 $0x6;
	p0 =	sne.s32 s28, $0x1;
	[sflag:s24] =	ssyncadd.s32 $0xFFFFC000  }
.Ltmp0:
0x30: {  	_ =	swait.ge [sflag:s25], $0x4000;
	(pc) =	sbr.rel @!p0 .LBB2_2-.Ltmp0, $4  }
0x31: {  	[sflag:s25] =	ssyncset.done $0x0  }
0x32: {  	s26 =	simm.s32 $0x8;
	[sflag:s25] =	ssyncadd.s32 $0xFFFFC000  }
0x33: {  	_ =	swait.ge [sflag:s26], $0x4000  }
0x34: {  	s28 =	sadd.s32 $0xFFFFFFFF, s28;
	[sflag:s26] =	ssyncset.done $0x0  }
.LBB2_1:
0x35: {  	p0 =	sne.s32 s28, $0x1;
	s28 =	sadd.s32 $0xFFFFFFFF, s28;
	[sflag:s26] =	ssyncadd.s32 $0xFFFFC000  }
0x36: {  	[tilespmem:s4], [sflag:$0x9] =	stream.linear.gather [hbm4b:s5+s4], $0x100, $0x38;
	[tilespmem:$0x10200] =	vst v63  }
0x37: {  	_ =	swait.ge [sflag:s6], $0x100  }
0x38: {  	[sflag:s6] =	ssyncset.done $0x0  }
0x39: {  	[sflag:s6] =	ssyncadd.s32 $0xFFFFFF00  }
0x3a: {  	[tilespmem:s8], [sflag:$0x9] =	stream.linear.gather [hbm4b:s7+s4], $0x100, $0x38;
	[tilespmem:$0x10200] =	vst v63  }
0x3b: {  	_ =	swait.ge [sflag:s6], $0x100  }
0x3c: {  	[sflag:s6] =	ssyncset.done $0x0  }
0x3d: {  	[sflag:s6] =	ssyncadd.s32 $0xFFFFFF00  }
0x3e: {  	[tilespmem:s10], [sflag:$0x1] =	stream.indirect.gather [hbm4b:s1+s9], $0x80, s4, s9, $0xb8;
	[tilespmem:$0x10200] =	vst v63  }
0x3f: {  	_ = 	snop  }
0x40: {  	[tilespmem:s11], [sflag:$0x3] =	stream.indirect.gather [hbm4b:s2+s9], $0x80, s8, s9, $0xb8;
	[tilespmem:$0x10200] =	vst v63  }
0x41: {  	_ = 	snop  }
0x42: {  	[tilespmem:s12], [sflag:$0x2] =	stream.indirect.gather [hbm4b:s1+s9], $0x80, s9, s9, $0xb8;
	[tilespmem:$0x10200] =	vst v63  }
0x43: {  	_ = 	snop  }
0x44: {  	[tilespmem:s14], [sflag:$0x4] =	stream.indirect.gather [hbm4b:s2+s9], $0x80, s13, s9, $0xb8;
	[tilespmem:$0x10200] =	vst v63  }
0x45: {  	_ =	swait.ge [sflag:s15], $0x4000  }
0x46: {  	[sflag:s15] =	ssyncset.done $0x0  }
0x47: {  	[sflag:s15] =	ssyncadd.s32 $0xFFFFC000  }
0x48: {  	_ =	swait.ge [sflag:s16], $0x4000  }
0x49: {  	[sflag:s16] =	ssyncset.done $0x0  }
0x4a: {  	[sflag:s16] =	ssyncadd.s32 $0xFFFFC000  }
0x4b: {  	[hbm4b:s17+s4] =	stream.linear.scatter [tilespmem:s10], [sflag:$0x5], $0x4000, $0x38;
	[tilespmem:$0x10200] =	vst v63  }
0x4c: {  	_ = 	snop  }
0x4d: {  	[hbm4b:s18+s4] =	stream.linear.scatter [tilespmem:s11], [sflag:$0x7], $0x4000, $0x38;
	[tilespmem:$0x10200] =	vst v63  }
0x4e: {  	_ =	swait.ge [sflag:s19], $0x4000  }
0x4f: {  	[sflag:s19] =	ssyncset.done $0x0  }
0x50: {  	[sflag:s19] =	ssyncadd.s32 $0xFFFFC000  }
0x51: {  	_ =	swait.ge [sflag:s20], $0x4000  }
0x52: {  	[sflag:s20] =	ssyncset.done $0x0  }
0x53: {  	[sflag:s20] =	ssyncadd.s32 $0xFFFFC000  }
0x54: {  	[hbm4b:s21+s4] =	stream.linear.scatter [tilespmem:s12], [sflag:$0x6], $0x4000, $0x38;
	[tilespmem:$0x10200] =	vst v63  }
0x55: {  	_ = 	snop  }
0x56: {  	[hbm4b:s22+s4] =	stream.linear.scatter [tilespmem:s14], [sflag:$0x8], $0x4000, $0x38;
	[tilespmem:$0x10200] =	vst v63  }
0x57: {  	_ =	swait.ge [sflag:s23], $0x4000  }
0x58: {  	[sflag:s23] =	ssyncset.done $0x0  }
0x59: {  	[sflag:s23] =	ssyncadd.s32 $0xFFFFC000  }
0x5a: {  	_ =	swait.ge [sflag:s24], $0x4000  }
0x5b: {  	[sflag:s24] =	ssyncset.done $0x0  }
0x5c: {  	[sflag:s24] =	ssyncadd.s32 $0xFFFFC000  }
.Ltmp1:
0x5d: {  	_ =	swait.ge [sflag:s25], $0x4000;
	(pc) =	sbr.rel @p0 .LBB2_1-.Ltmp1, $4  }
0x5e: {  	[sflag:s25] =	ssyncset.done $0x0  }
0x5f: {  	[sflag:s25] =	ssyncadd.s32 $0xFFFFC000  }
0x60: {  	_ =	swait.ge [sflag:s26], $0x4000  }
0x61: {  	[sflag:s26] =	ssyncset.done $0x0  }
.LBB2_2:
0x62: {  	[sflag:s26] =	ssyncadd.s32 $0xFFFFC000  }
0x63: {  	_ =	sfence.sel $0x180000  }
0x64: {  	[bflag:$0x0] =	sbarrier.arrive $0xFFFF  }
0x65: {  	p0 =	sne.s32 s0, $0x0;
	_ =	strace $0x9000004A  }
0x66: {  	s0 =	sadd.s32 @!p0 $0x100000, s3;
	[bflag:$0x2] =	sbarrier.arrive $0xFFFF  }
0x67: {  	[sflag:s0] =	ssyncadd.tile.s32 @!p0 $0x1;
	_ =	shalt  }
.Lfunc_end2:
_tile_overlayer_lowered:
.L_overlay_start_2:
0x68: {  	(tag) =	ssettag $0x2  }
0x69: {  	s0 =	rddreg [dreg:$0x0];
	s2 =	stileid.u32  }
0x6a: {  	s1 =	rddreg [dreg:$0x1];
	p0 =	sne.s32 s2, $0x0  }
0x6b: {  	s3 =	rddreg [dreg:$0x2];
	[bflag:$0x3] =	sbarrier.arrive $0xFFFF;
	s2 =	simm.s32 @!p0 $0x1C09  }
0x6c: {  	[timem:s3], [sflag:s2] =	dma.local @!p0 [hbm:s0], s1  }
0x6d: {  	s0 =	simm.s32 @!p0 $0x9  }
0x6e: {  	_ =	swait.ge @!p0 [sflag:s0], s1  }
0x6f: {  	s1 =	ssub.s32 @!p0 $0x0, s1;
	[sflag:s0] =	ssyncset.done @!p0 $0x0  }
0x70: {  	[sflag:s0] =	ssyncadd.s32 @!p0 s1  }
0x71: {  	[bflag:$0x3] =	sbarrier.arrive $0xFFFF  }
0x72: {  	_ =	shalt  }

</sc_bundles>
